<compile_context>
chip_gen: v7x
topology: tpu7x:2x2x1
jax: 0.10.2.dev20260603
libtpu: 0.0.44.dev20260713+nightly
codegen_flags: <defaults>
</compile_context>

<pallas_src>
import functools

import jax
import jax.numpy as jnp
from jax import lax
from jax.experimental import pallas as pl
from jax.experimental.pallas import tpu as pltpu
from jax.experimental.pallas import tpu_sc as plsc

ROWS = 4096
COLS = 200
DIM = 4
NUM_EMB = 8

_info = plsc.get_sparse_core_info()
NC = _info.num_cores
NS = _info.num_subcores
NW = NC * NS
IBLK = ROWS // NW
JBLK = 8
NJB = COLS // JBLK


def _make_lookup():
    mesh = plsc.VectorSubcoreMesh(core_axis_name="c", subcore_axis_name="s")

    @functools.partial(
        pl.kernel,
        mesh=mesh,
        compiler_params=pltpu.CompilerParams(
            needs_layout_passes=False,
            use_tc_tiling_on_sc=False,
        ),
        out_type=jax.ShapeDtypeStruct((COLS, NW, DIM * IBLK), jnp.float32),
        scratch_types=[
            pltpu.VMEM((DIM * NUM_EMB,), jnp.float32),
            pltpu.VMEM((NJB, JBLK * IBLK), jnp.int32),
            pltpu.VMEM((COLS, DIM * IBLK), jnp.float32),
            pltpu.SemaphoreType.DMA,
            pltpu.SemaphoreType.DMA,
        ],
    )
    def lookup(ids_hbm, table_hbm, out_hbm, table_v, idx_v, out_v, sem, sem2):
        wid = lax.axis_index("s") * NC + lax.axis_index("c")
        jsplit = 13
        cp_in0 = pltpu.async_copy(
            ids_hbm.at[pl.ds(0, jsplit), wid], idx_v.at[pl.ds(0, jsplit)], sem
        )
        cp_in1 = pltpu.async_copy(
            ids_hbm.at[pl.ds(jsplit, NJB - jsplit), wid],
            idx_v.at[pl.ds(jsplit, NJB - jsplit)],
            sem2,
        )
        pltpu.sync_copy(table_hbm, table_v)
        hi8 = lax.iota(jnp.int32, 16) + 8
        pair0 = table_v[pl.ds(0, 16)]
        pair1 = table_v[pl.ds(16, 16)]
        tvecs = [
            pair0,
            pair0.at[hi8].get(mode="promise_in_bounds", fill_value=0.0),
            pair1,
            pair1.at[hi8].get(mode="promise_in_bounds", fill_value=0.0),
        ]
        half = COLS // 2

        def make_body(lo, hi):
            @plsc.parallel_loop(lo, hi, unroll=4)
            def body(j):
                jb = j // JBLK
                jm = (j % JBLK) * IBLK
                for k in range(IBLK // 16):
                    ids16 = idx_v[jb, pl.ds(jm + k * 16, 16)]
                    for d in range(DIM):
                        vals = tvecs[d].at[ids16].get(
                            mode="promise_in_bounds"
                        )
                        out_v[j, pl.ds(d * IBLK + k * 16, 16)] = vals

        cp_in0.wait()
        make_body(0, half)
        cp_in1.wait()
        cp = pltpu.async_copy(
            out_v.at[pl.ds(0, half)], out_hbm.at[pl.ds(0, half), wid], sem
        )
        make_body(half, COLS)
        cp.wait()
        pltpu.sync_copy(
            out_v.at[pl.ds(half, COLS - half)],
            out_hbm.at[pl.ds(half, COLS - half), wid],
        )

    return lookup


_lookup = _make_lookup()


def kernel(input_ids, embed_table):
    ids3 = (
        input_ids.astype(jnp.int32)
        .T.reshape(NJB, JBLK, NW, IBLK)
        .transpose(0, 2, 1, 3)
        .reshape(NJB, NW, JBLK * IBLK)
    )
    b = _lookup(ids3, embed_table.T.reshape(-1))
    return (
        b.reshape(COLS, NW, DIM, IBLK)
        .transpose(1, 3, 0, 2)
        .reshape(ROWS, COLS, DIM)
    )

# --- scband reference (transcript-rebuilt; emitter-appended) ---
"""Pipeline reference for scband-no-norm-causal-55061480735489 (READ-ONLY COPY).

The authoritative reference and input builder live on the scoring server;
editing this copy changes nothing except your own understanding.
"""

import jax, jax.numpy as jnp
import numpy as np

NUM_EMBEDDINGS = 8
EMBED_DIM = 4

def setup_inputs(seed: int = 0) -> dict:
    key = jax.random.key(seed)
    k_ids, k_tab = jax.random.split(key)
    input_ids = jax.random.randint(k_ids, (4096, 200), 0, NUM_EMBEDDINGS, dtype=jnp.int64 if jax.config.jax_enable_x64 else jnp.int32)
    # nn.Embedding default init: N(0, 1)
    embed_table = jax.random.normal(k_tab, (NUM_EMBEDDINGS, EMBED_DIM), dtype=jnp.float32)
    return {"input_ids": input_ids, "embed_table": embed_table}

def reference(input_ids, embed_table):
    # x = self.embed(input_ids); blocks are Identity
    x = jnp.take(embed_table, input_ids, axis=0)
    return x

if __name__ == "__main__":
    import jax
    _d = setup_inputs()
    print(jax.jit(kernel)(*tuple(_d.values())))

</pallas_src>

<mosaic_0001>
#map = affine_map<(d0, d1) -> (0, 0, 0)>
#map1 = affine_map<(d0, d1) -> (0)>
module attributes {stable_mosaic.version = 14 : i64} {
  func.func @lookup(%arg0: i32, %arg1: i32, %arg2: memref<25x32x1024xi32, #tpu.memory_space<hbm>>, %arg3: memref<32xf32, #tpu.memory_space<hbm>>, %arg4: memref<200x32x512xf32, #tpu.memory_space<hbm>>, %arg5: memref<32xf32, #tpu.memory_space<vmem>>, %arg6: memref<25x1024xi32, #tpu.memory_space<vmem>>, %arg7: memref<200x512xf32, #tpu.memory_space<vmem>>, %arg8: memref<!tpu.dma_semaphore, #tpu.memory_space<semaphore_mem>>, %arg9: memref<!tpu.dma_semaphore, #tpu.memory_space<semaphore_mem>>) attributes {dimension_semantics = [#tpu.dimension_semantics<core_parallel>, #tpu.dimension_semantics<subcore_parallel>], iteration_bounds = array<i64: 2, 16>, scalar_prefetch = 0 : i64, scratch_operands = 5 : i64, tpu.core_type = #tpu.core_type<sc_vector_subcore>, window_params = [{transform_indices = #map}, {transform_indices = #map1}, {transform_indices = #map}]} {
    %mul3A = arith.constant 2 : i32
    %mul3A_0 = arith.muli %arg1, %mul3A : i32
    %add3A = arith.addi %mul3A_0, %arg0 : i32
    %dma_start3A = arith.constant 0 : i32
    %dma_start3A_1 = arith.constant 0 : i32
    %dma_start3A_2 = tpu.memref_slice %arg6[%dma_start3A, %dma_start3A_1] : memref<25x1024xi32, #tpu.memory_space<vmem>> -> memref<13x1024xi32, #tpu.memory_space<vmem>>
    %dma_start3A_3 = arith.constant 0 : i32
    %dma_start3A_4 = arith.constant 0 : i32
    %dma_start3A_5 = tpu.memref_slice %arg2[%dma_start3A_3, %add3A, %dma_start3A_4] : memref<25x32x1024xi32, #tpu.memory_space<hbm>> -> memref<13x1x1024xi32, #tpu.memory_space<hbm>>
    %dma_start3A_6 = tpu.memref_squeeze %dma_start3A_5 : memref<13x1x1024xi32, #tpu.memory_space<hbm>> -> memref<13x1024xi32, #tpu.memory_space<hbm>>
    %dma_start3A_7 = arith.constant 0 : i32
    %dma_start3A_8 = arith.constant 0 : i32
    %dma_start3A_9 = tpu.memref_slice %arg6[%dma_start3A_7, %dma_start3A_8] : memref<25x1024xi32, #tpu.memory_space<vmem>> -> memref<13x1024xi32, #tpu.memory_space<vmem>>
    %dma_start3A_10 = arith.constant 0 : i32
    %dma_start3A_11 = arith.constant 0 : i32
    %dma_start3A_12 = tpu.memref_slice %arg2[%dma_start3A_10, %add3A, %dma_start3A_11] : memref<25x32x1024xi32, #tpu.memory_space<hbm>> -> memref<13x1x1024xi32, #tpu.memory_space<hbm>>
    %dma_start3A_13 = tpu.memref_squeeze %dma_start3A_12 : memref<13x1x1024xi32, #tpu.memory_space<hbm>> -> memref<13x1024xi32, #tpu.memory_space<hbm>>
    tpu.enqueue_dma source(%dma_start3A_13 : memref<13x1024xi32, #tpu.memory_space<hbm>>) target(%dma_start3A_9 : memref<13x1024xi32, #tpu.memory_space<vmem>>) target_semaphore(%arg8 : memref<!tpu.dma_semaphore, #tpu.memory_space<semaphore_mem>>)
    %dma_start3A_14 = arith.constant 13 : i32
    %dma_start3A_15 = arith.constant 0 : i32
    %dma_start3A_16 = tpu.memref_slice %arg6[%dma_start3A_14, %dma_start3A_15] : memref<25x1024xi32, #tpu.memory_space<vmem>> -> memref<12x1024xi32, #tpu.memory_space<vmem>>
    %dma_start3A_17 = arith.constant 13 : i32
    %dma_start3A_18 = arith.constant 0 : i32
    %dma_start3A_19 = tpu.memref_slice %arg2[%dma_start3A_17, %add3A, %dma_start3A_18] : memref<25x32x1024xi32, #tpu.memory_space<hbm>> -> memref<12x1x1024xi32, #tpu.memory_space<hbm>>
    %dma_start3A_20 = tpu.memref_squeeze %dma_start3A_19 : memref<12x1x1024xi32, #tpu.memory_space<hbm>> -> memref<12x1024xi32, #tpu.memory_space<hbm>>
    %dma_start3A_21 = arith.constant 13 : i32
    %dma_start3A_22 = arith.constant 0 : i32
    %dma_start3A_23 = tpu.memref_slice %arg6[%dma_start3A_21, %dma_start3A_22] : memref<25x1024xi32, #tpu.memory_space<vmem>> -> memref<12x1024xi32, #tpu.memory_space<vmem>>
    %dma_start3A_24 = arith.constant 13 : i32
    %dma_start3A_25 = arith.constant 0 : i32
    %dma_start3A_26 = tpu.memref_slice %arg2[%dma_start3A_24, %add3A, %dma_start3A_25] : memref<25x32x1024xi32, #tpu.memory_space<hbm>> -> memref<12x1x1024xi32, #tpu.memory_space<hbm>>
    %dma_start3A_27 = tpu.memref_squeeze %dma_start3A_26 : memref<12x1x1024xi32, #tpu.memory_space<hbm>> -> memref<12x1024xi32, #tpu.memory_space<hbm>>
    tpu.enqueue_dma source(%dma_start3A_27 : memref<12x1024xi32, #tpu.memory_space<hbm>>) target(%dma_start3A_23 : memref<12x1024xi32, #tpu.memory_space<vmem>>) target_semaphore(%arg9 : memref<!tpu.dma_semaphore, #tpu.memory_space<semaphore_mem>>)
    "tpu.region"() ({
      %run_scoped3A = tpu.sem_alloc : memref<!tpu.dma_semaphore, #tpu.memory_space<semaphore_mem>>
      tpu.enqueue_dma source(%arg3 : memref<32xf32, #tpu.memory_space<hbm>>) target(%arg5 : memref<32xf32, #tpu.memory_space<vmem>>) target_semaphore(%run_scoped3A : memref<!tpu.dma_semaphore, #tpu.memory_space<semaphore_mem>>)
      tpu.wait_dma2 semaphore(%run_scoped3A : memref<!tpu.dma_semaphore, #tpu.memory_space<semaphore_mem>>) src(%arg3 : memref<32xf32, #tpu.memory_space<hbm>>) dst(%arg5 : memref<32xf32, #tpu.memory_space<vmem>>)
      tpu.yield
    }) : () -> ()
    %iota3A = tpu.iota {dimensions = array<i32: 0>} : vector<16xi32>
    %add3A_28 = arith.constant 8 : i32
    %add3A_29 = vector.broadcast %add3A_28 : i32 to vector<16xi32>
    %add3A_30 = arith.addi %iota3A, %add3A_29 : vector<16xi32>
    %get3A = arith.constant 0 : index
    %get3A_31 = tpu.vector_load %arg5[%get3A] {strides = array<i32>} : memref<32xf32, #tpu.memory_space<vmem>>, vector<16xf32>,
    %get3A_32 = arith.constant 16 : index
    %get3A_33 = tpu.vector_load %arg5[%get3A_32] {strides = array<i32>} : memref<32xf32, #tpu.memory_space<vmem>>, vector<16xf32>,
    %lt3A = arith.constant 0 : i32
    %lt3A_34 = vector.broadcast %lt3A : i32 to vector<16xi32>
    %lt3A_35 = arith.cmpi slt, %add3A_30, %lt3A_34 : vector<16xi32>
    %add3A_36 = arith.constant 16 : i32
    %add3A_37 = vector.broadcast %add3A_36 : i32 to vector<16xi32>
    %add3A_38 = arith.addi %add3A_30, %add3A_37 : vector<16xi32>
    %select_n3A = arith.select %lt3A_35, %add3A_38, %add3A_30 : vector<16xi1>, vector<16xi32>
    %broadcast_in_dim3A = vector.shape_cast %select_n3A : vector<16xi32> to vector<16x1xi32>
    %gather3A = vector.shape_cast %broadcast_in_dim3A : vector<16x1xi32> to vector<16xi32>
    %gather3A_39 = tpu.dynamic_gather %get3A_31[%gather3A] in [0] : vector<16xf32>, vector<16xi32> -> vector<16xf32>
    %lt3A_40 = arith.constant 0 : i32
    %lt3A_41 = vector.broadcast %lt3A_40 : i32 to vector<16xi32>
    %lt3A_42 = arith.cmpi slt, %add3A_30, %lt3A_41 : vector<16xi32>
    %add3A_43 = arith.constant 16 : i32
    %add3A_44 = vector.broadcast %add3A_43 : i32 to vector<16xi32>
    %add3A_45 = arith.addi %add3A_30, %add3A_44 : vector<16xi32>
    %select_n3A_46 = arith.select %lt3A_42, %add3A_45, %add3A_30 : vector<16xi1>, vector<16xi32>
    %broadcast_in_dim3A_47 = vector.shape_cast %select_n3A_46 : vector<16xi32> to vector<16x1xi32>
    %gather3A_48 = vector.shape_cast %broadcast_in_dim3A_47 : vector<16x1xi32> to vector<16xi32>
    %gather3A_49 = tpu.dynamic_gather %get3A_33[%gather3A_48] in [0] : vector<16xf32>, vector<16xi32> -> vector<16xf32>
    %dma_wait3A = arith.constant 0 : i32
    %dma_wait3A_50 = arith.constant 0 : i32
    %dma_wait3A_51 = tpu.memref_slice %arg6[%dma_wait3A, %dma_wait3A_50] : memref<25x1024xi32, #tpu.memory_space<vmem>> -> memref<13x1024xi32, #tpu.memory_space<vmem>>
    %dma_wait3A_52 = arith.constant 0 : i32
    %dma_wait3A_53 = arith.constant 0 : i32
    %dma_wait3A_54 = tpu.memref_slice %arg2[%dma_wait3A_52, %add3A, %dma_wait3A_53] : memref<25x32x1024xi32, #tpu.memory_space<hbm>> -> memref<13x1x1024xi32, #tpu.memory_space<hbm>>
    %dma_wait3A_55 = tpu.memref_squeeze %dma_wait3A_54 : memref<13x1x1024xi32, #tpu.memory_space<hbm>> -> memref<13x1024xi32, #tpu.memory_space<hbm>>
    %dma_wait3A_56 = arith.constant 0 : i32
    %dma_wait3A_57 = arith.constant 0 : i32
    %dma_wait3A_58 = tpu.memref_slice %arg6[%dma_wait3A_56, %dma_wait3A_57] : memref<25x1024xi32, #tpu.memory_space<vmem>> -> memref<13x1024xi32, #tpu.memory_space<vmem>>
    %dma_wait3A_59 = arith.constant 0 : i32
    %dma_wait3A_60 = arith.constant 0 : i32
    %dma_wait3A_61 = tpu.memref_slice %arg2[%dma_wait3A_59, %add3A, %dma_wait3A_60] : memref<25x32x1024xi32, #tpu.memory_space<hbm>> -> memref<13x1x1024xi32, #tpu.memory_space<hbm>>
    %dma_wait3A_62 = tpu.memref_squeeze %dma_wait3A_61 : memref<13x1x1024xi32, #tpu.memory_space<hbm>> -> memref<13x1024xi32, #tpu.memory_space<hbm>>
    tpu.wait_dma2 semaphore(%arg8 : memref<!tpu.dma_semaphore, #tpu.memory_space<semaphore_mem>>) src(%dma_wait3A_62 : memref<13x1024xi32, #tpu.memory_space<hbm>>) dst(%dma_wait3A_58 : memref<13x1024xi32, #tpu.memory_space<vmem>>)
    %parallel_loop3A = arith.constant 0 : i32
    %parallel_loop3A_63 = arith.constant 100 : i32
    %parallel_loop3A_64 = arith.constant 1 : i32
    scf.for %parallel_loop3A_110 = %parallel_loop3A to %parallel_loop3A_63 step %parallel_loop3A_64  : i32 {
      %parallel_loop3A_111 = arith.constant 8 : i32
      %parallel_loop3A_112 = arith.divsi %parallel_loop3A_110, %parallel_loop3A_111 : i32
      %parallel_loop3A_113 = arith.constant 0 : i32
      %parallel_loop3A_114 = arith.cmpi sgt, %parallel_loop3A_110, %parallel_loop3A_113 : i32
      %parallel_loop3A_115 = arith.extui %parallel_loop3A_114 : i1 to i32
      %parallel_loop3A_116 = arith.constant 0 : i32
      %parallel_loop3A_117 = arith.cmpi slt, %parallel_loop3A_110, %parallel_loop3A_116 : i32
      %parallel_loop3A_118 = arith.extui %parallel_loop3A_117 : i1 to i32
      %parallel_loop3A_119 = arith.subi %parallel_loop3A_115, %parallel_loop3A_118 : i32
      %parallel_loop3A_120 = arith.constant 0 : i32
      %parallel_loop3A_121 = arith.cmpi sgt, %parallel_loop3A_111, %parallel_loop3A_120 : i32
      %parallel_loop3A_122 = arith.extui %parallel_loop3A_121 : i1 to i32
      %parallel_loop3A_123 = arith.constant 0 : i32
      %parallel_loop3A_124 = arith.cmpi slt, %parallel_loop3A_111, %parallel_loop3A_123 : i32
      %parallel_loop3A_125 = arith.extui %parallel_loop3A_124 : i1 to i32
      %parallel_loop3A_126 = arith.subi %parallel_loop3A_122, %parallel_loop3A_125 : i32
      %parallel_loop3A_127 = arith.cmpi ne, %parallel_loop3A_119, %parallel_loop3A_126 : i32
      %parallel_loop3A_128 = arith.remsi %parallel_loop3A_110, %parallel_loop3A_111 : i32
      %parallel_loop3A_129 = arith.constant 0 : i32
      %parallel_loop3A_130 = arith.cmpi ne, %parallel_loop3A_128, %parallel_loop3A_129 : i32
      %parallel_loop3A_131 = arith.andi %parallel_loop3A_127, %parallel_loop3A_130 : i1
      %parallel_loop3A_132 = arith.constant 1 : i32
      %parallel_loop3A_133 = arith.subi %parallel_loop3A_112, %parallel_loop3A_132 : i32
      %parallel_loop3A_134 = arith.select %parallel_loop3A_131, %parallel_loop3A_133, %parallel_loop3A_112 : i32
      %parallel_loop3A_135 = arith.constant 8 : i32
      %parallel_loop3A_136 = arith.constant 0 : i32
      %parallel_loop3A_137 = arith.cmpi eq, %parallel_loop3A_135, %parallel_loop3A_136 : i32
      %parallel_loop3A_138 = arith.constant 1 : i32
      %parallel_loop3A_139 = arith.select %parallel_loop3A_137, %parallel_loop3A_138, %parallel_loop3A_135 : i32
      %parallel_loop3A_140 = arith.remsi %parallel_loop3A_110, %parallel_loop3A_139 : i32
      %parallel_loop3A_141 = arith.constant 0 : i32
      %parallel_loop3A_142 = arith.cmpi ne, %parallel_loop3A_140, %parallel_loop3A_141 : i32
      %parallel_loop3A_143 = arith.constant 0 : i32
      %parallel_loop3A_144 = arith.cmpi slt, %parallel_loop3A_140, %parallel_loop3A_143 : i32
      %parallel_loop3A_145 = arith.constant 0 : i32
      %parallel_loop3A_146 = arith.cmpi slt, %parallel_loop3A_139, %parallel_loop3A_145 : i32
      %parallel_loop3A_147 = arith.xori %parallel_loop3A_144, %parallel_loop3A_146 : i1
      %parallel_loop3A_148 = arith.andi %parallel_loop3A_147, %parallel_loop3A_142 : i1
      %parallel_loop3A_149 = arith.addi %parallel_loop3A_140, %parallel_loop3A_139 : i32
      %parallel_loop3A_150 = arith.select %parallel_loop3A_148, %parallel_loop3A_149, %parallel_loop3A_140 : i32
      %parallel_loop3A_151 = arith.constant 128 : i32
      %parallel_loop3A_152 = arith.muli %parallel_loop3A_150, %parallel_loop3A_151 : i32
      %parallel_loop3A_153 = arith.constant 0 : i32
      %parallel_loop3A_154 = arith.addi %parallel_loop3A_152, %parallel_loop3A_153 : i32
      %parallel_loop3A_155 = arith.index_cast %parallel_loop3A_134 : i32 to index
      %parallel_loop3A_156 = arith.index_cast %parallel_loop3A_154 : i32 to index
      %parallel_loop3A_157 = tpu.vector_load %arg6[%parallel_loop3A_155, %parallel_loop3A_156] {strides = array<i32>} : memref<25x1024xi32, #tpu.memory_space<vmem>>, vector<16xi32>,
      %parallel_loop3A_158 = arith.constant 0 : i32
      %parallel_loop3A_159 = vector.broadcast %parallel_loop3A_158 : i32 to vector<16xi32>
      %parallel_loop3A_160 = arith.cmpi slt, %parallel_loop3A_157, %parallel_loop3A_159 : vector<16xi32>
      %parallel_loop3A_161 = arith.constant 16 : i32
      %parallel_loop3A_162 = vector.broadcast %parallel_loop3A_161 : i32 to vector<16xi32>
      %parallel_loop3A_163 = arith.addi %parallel_loop3A_157, %parallel_loop3A_162 : vector<16xi32>
      %parallel_loop3A_164 = arith.select %parallel_loop3A_160, %parallel_loop3A_163, %parallel_loop3A_157 : vector<16xi1>, vector<16xi32>
      %parallel_loop3A_165 = vector.shape_cast %parallel_loop3A_164 : vector<16xi32> to vector<16x1xi32>
      %parallel_loop3A_166 = vector.shape_cast %parallel_loop3A_165 : vector<16x1xi32> to vector<16xi32>
      %parallel_loop3A_167 = tpu.dynamic_gather %get3A_31[%parallel_loop3A_166] in [0] : vector<16xf32>, vector<16xi32> -> vector<16xf32>
      %parallel_loop3A_168 = arith.index_cast %parallel_loop3A_110 : i32 to index
      %parallel_loop3A_169 = arith.constant 0 : index
      %parallel_loop3A_170 = tpu.vector_load %arg7[%parallel_loop3A_168, %parallel_loop3A_169] {strides = array<i32>} : memref<200x512xf32, #tpu.memory_space<vmem>>, vector<16xf32>,
      tpu.vector_store %arg7[%parallel_loop3A_168, %parallel_loop3A_169], %parallel_loop3A_167 {strides = array<i32>} : memref<200x512xf32, #tpu.memory_space<vmem>>, vector<16xf32>,
      %parallel_loop3A_171 = arith.constant 0 : i32
      %parallel_loop3A_172 = vector.broadcast %parallel_loop3A_171 : i32 to vector<16xi32>
      %parallel_loop3A_173 = arith.cmpi slt, %parallel_loop3A_157, %parallel_loop3A_172 : vector<16xi32>
      %parallel_loop3A_174 = arith.constant 16 : i32
      %parallel_loop3A_175 = vector.broadcast %parallel_loop3A_174 : i32 to vector<16xi32>
      %parallel_loop3A_176 = arith.addi %parallel_loop3A_157, %parallel_loop3A_175 : vector<16xi32>
      %parallel_loop3A_177 = arith.select %parallel_loop3A_173, %parallel_loop3A_176, %parallel_loop3A_157 : vector<16xi1>, vector<16xi32>
      %parallel_loop3A_178 = vector.shape_cast %parallel_loop3A_177 : vector<16xi32> to vector<16x1xi32>
      %parallel_loop3A_179 = vector.shape_cast %parallel_loop3A_178 : vector<16x1xi32> to vector<16xi32>
      %parallel_loop3A_180 = tpu.dynamic_gather %gather3A_39[%parallel_loop3A_179] in [0] : vector<16xf32>, vector<16xi32> -> vector<16xf32>
      %parallel_loop3A_181 = arith.index_cast %parallel_loop3A_110 : i32 to index
      %parallel_loop3A_182 = arith.constant 128 : index
      %parallel_loop3A_183 = tpu.vector_load %arg7[%parallel_loop3A_181, %parallel_loop3A_182] {strides = array<i32>} : memref<200x512xf32, #tpu.memory_space<vmem>>, vector<16xf32>,
      tpu.vector_store %arg7[%parallel_loop3A_181, %parallel_loop3A_182], %parallel_loop3A_180 {strides = array<i32>} : memref<200x512xf32, #tpu.memory_space<vmem>>, vector<16xf32>,
      %parallel_loop3A_184 = arith.constant 0 : i32
      %parallel_loop3A_185 = vector.broadcast %parallel_loop3A_184 : i32 to vector<16xi32>
      %parallel_loop3A_186 = arith.cmpi slt, %parallel_loop3A_157, %parallel_loop3A_185 : vector<16xi32>
      %parallel_loop3A_187 = arith.constant 16 : i32
      %parallel_loop3A_188 = vector.broadcast %parallel_loop3A_187 : i32 to vector<16xi32>
      %parallel_loop3A_189 = arith.addi %parallel_loop3A_157, %parallel_loop3A_188 : vector<16xi32>
      %parallel_loop3A_190 = arith.select %parallel_loop3A_186, %parallel_loop3A_189, %parallel_loop3A_157 : vector<16xi1>, vector<16xi32>
      %parallel_loop3A_191 = vector.shape_cast %parallel_loop3A_190 : vector<16xi32> to vector<16x1xi32>
      %parallel_loop3A_192 = vector.shape_cast %parallel_loop3A_191 : vector<16x1xi32> to vector<16xi32>
      %parallel_loop3A_193 = tpu.dynamic_gather %get3A_33[%parallel_loop3A_192] in [0] : vector<16xf32>, vector<16xi32> -> vector<16xf32>
      %parallel_loop3A_194 = arith.index_cast %parallel_loop3A_110 : i32 to index
      %parallel_loop3A_195 = arith.constant 256 : index
      %parallel_loop3A_196 = tpu.vector_load %arg7[%parallel_loop3A_194, %parallel_loop3A_195] {strides = array<i32>} : memref<200x512xf32, #tpu.memory_space<vmem>>, vector<16xf32>,
      tpu.vector_store %arg7[%parallel_loop3A_194, %parallel_loop3A_195], %parallel_loop3A_193 {strides = array<i32>} : memref<200x512xf32, #tpu.memory_space<vmem>>, vector<16xf32>,
      %parallel_loop3A_197 = arith.constant 0 : i32
      %parallel_loop3A_198 = vector.broadcast %parallel_loop3A_197 : i32 to vector<16xi32>
      %parallel_loop3A_199 = arith.cmpi slt, %parallel_loop3A_157, %parallel_loop3A_198 : vector<16xi32>
      %parallel_loop3A_200 = arith.constant 16 : i32
      %parallel_loop3A_201 = vector.broadcast %parallel_loop3A_200 : i32 to vector<16xi32>
      %parallel_loop3A_202 = arith.addi %parallel_loop3A_157, %parallel_loop3A_201 : vector<16xi32>
      %parallel_loop3A_203 = arith.select %parallel_loop3A_199, %parallel_loop3A_202, %parallel_loop3A_157 : vector<16xi1>, vector<16xi32>
      %parallel_loop3A_204 = vector.shape_cast %parallel_loop3A_203 : vector<16xi32> to vector<16x1xi32>
      %parallel_loop3A_205 = vector.shape_cast %parallel_loop3A_204 : vector<16x1xi32> to vector<16xi32>
      %parallel_loop3A_206 = tpu.dynamic_gather %gather3A_49[%parallel_loop3A_205] in [0] : vector<16xf32>, vector<16xi32> -> vector<16xf32>
      %parallel_loop3A_207 = arith.index_cast %parallel_loop3A_110 : i32 to index
      %parallel_loop3A_208 = arith.constant 384 : index
      %parallel_loop3A_209 = tpu.vector_load %arg7[%parallel_loop3A_207, %parallel_loop3A_208] {strides = array<i32>} : memref<200x512xf32, #tpu.memory_space<vmem>>, vector<16xf32>,
      tpu.vector_store %arg7[%parallel_loop3A_207, %parallel_loop3A_208], %parallel_loop3A_206 {strides = array<i32>} : memref<200x512xf32, #tpu.memory_space<vmem>>, vector<16xf32>,
      %parallel_loop3A_210 = arith.constant 16 : i32
      %parallel_loop3A_211 = arith.addi %parallel_loop3A_152, %parallel_loop3A_210 : i32
      %parallel_loop3A_212 = arith.index_cast %parallel_loop3A_134 : i32 to index
      %parallel_loop3A_213 = arith.index_cast %parallel_loop3A_211 : i32 to index
      %parallel_loop3A_214 = tpu.vector_load %arg6[%parallel_loop3A_212, %parallel_loop3A_213] {strides = array<i32>} : memref<25x1024xi32, #tpu.memory_space<vmem>>, vector<16xi32>,
      %parallel_loop3A_215 = arith.constant 0 : i32
      %parallel_loop3A_216 = vector.broadcast %parallel_loop3A_215 : i32 to vector<16xi32>
      %parallel_loop3A_217 = arith.cmpi slt, %parallel_loop3A_214, %parallel_loop3A_216 : vector<16xi32>
      %parallel_loop3A_218 = arith.constant 16 : i32
      %parallel_loop3A_219 = vector.broadcast %parallel_loop3A_218 : i32 to vector<16xi32>
      %parallel_loop3A_220 = arith.addi %parallel_loop3A_214, %parallel_loop3A_219 : vector<16xi32>
      %parallel_loop3A_221 = arith.select %parallel_loop3A_217, %parallel_loop3A_220, %parallel_loop3A_214 : vector<16xi1>, vector<16xi32>
      %parallel_loop3A_222 = vector.shape_cast %parallel_loop3A_221 : vector<16xi32> to vector<16x1xi32>
      %parallel_loop3A_223 = vector.shape_cast %parallel_loop3A_222 : vector<16x1xi32> to vector<16xi32>
      %parallel_loop3A_224 = tpu.dynamic_gather %get3A_31[%parallel_loop3A_223] in [0] : vector<16xf32>, vector<16xi32> -> vector<16xf32>
      %parallel_loop3A_225 = arith.index_cast %parallel_loop3A_110 : i32 to index
      %parallel_loop3A_226 = arith.constant 16 : index
      %parallel_loop3A_227 = tpu.vector_load %arg7[%parallel_loop3A_225, %parallel_loop3A_226] {strides = array<i32>} : memref<200x512xf32, #tpu.memory_space<vmem>>, vector<16xf32>,
      tpu.vector_store %arg7[%parallel_loop3A_225, %parallel_loop3A_226], %parallel_loop3A_224 {strides = array<i32>} : memref<200x512xf32, #tpu.memory_space<vmem>>, vector<16xf32>,
      %parallel_loop3A_228 = arith.constant 0 : i32
      %parallel_loop3A_229 = vector.broadcast %parallel_loop3A_228 : i32 to vector<16xi32>
      %parallel_loop3A_230 = arith.cmpi slt, %parallel_loop3A_214, %parallel_loop3A_229 : vector<16xi32>
      %parallel_loop3A_231 = arith.constant 16 : i32
      %parallel_loop3A_232 = vector.broadcast %parallel_loop3A_231 : i32 to vector<16xi32>
      %parallel_loop3A_233 = arith.addi %parallel_loop3A_214, %parallel_loop3A_232 : vector<16xi32>
      %parallel_loop3A_234 = arith.select %parallel_loop3A_230, %parallel_loop3A_233, %parallel_loop3A_214 : vector<16xi1>, vector<16xi32>
      %parallel_loop3A_235 = vector.shape_cast %parallel_loop3A_234 : vector<16xi32> to vector<16x1xi32>
      %parallel_loop3A_236 = vector.shape_cast %parallel_loop3A_235 : vector<16x1xi32> to vector<16xi32>
      %parallel_loop3A_237 = tpu.dynamic_gather %gather3A_39[%parallel_loop3A_236] in [0] : vector<16xf32>, vector<16xi32> -> vector<16xf32>
      %parallel_loop3A_238 = arith.index_cast %parallel_loop3A_110 : i32 to index
      %parallel_loop3A_239 = arith.constant 144 : index
      %parallel_loop3A_240 = tpu.vector_load %arg7[%parallel_loop3A_238, %parallel_loop3A_239] {strides = array<i32>} : memref<200x512xf32, #tpu.memory_space<vmem>>, vector<16xf32>,
      tpu.vector_store %arg7[%parallel_loop3A_238, %parallel_loop3A_239], %parallel_loop3A_237 {strides = array<i32>} : memref<200x512xf32, #tpu.memory_space<vmem>>, vector<16xf32>,
      %parallel_loop3A_241 = arith.constant 0 : i32
      %parallel_loop3A_242 = vector.broadcast %parallel_loop3A_241 : i32 to vector<16xi32>
      %parallel_loop3A_243 = arith.cmpi slt, %parallel_loop3A_214, %parallel_loop3A_242 : vector<16xi32>
      %parallel_loop3A_244 = arith.constant 16 : i32
      %parallel_loop3A_245 = vector.broadcast %parallel_loop3A_244 : i32 to vector<16xi32>
      %parallel_loop3A_246 = arith.addi %parallel_loop3A_214, %parallel_loop3A_245 : vector<16xi32>
      %parallel_loop3A_247 = arith.select %parallel_loop3A_243, %parallel_loop3A_246, %parallel_loop3A_214 : vector<16xi1>, vector<16xi32>
      %parallel_loop3A_248 = vector.shape_cast %parallel_loop3A_247 : vector<16xi32> to vector<16x1xi32>
      %parallel_loop3A_249 = vector.shape_cast %parallel_loop3A_248 : vector<16x1xi32> to vector<16xi32>
      %parallel_loop3A_250 = tpu.dynamic_gather %get3A_33[%parallel_loop3A_249] in [0] : vector<16xf32>, vector<16xi32> -> vector<16xf32>
      %parallel_loop3A_251 = arith.index_cast %parallel_loop3A_110 : i32 to index
      %parallel_loop3A_252 = arith.constant 272 : index
      %parallel_loop3A_253 = tpu.vector_load %arg7[%parallel_loop3A_251, %parallel_loop3A_252] {strides = array<i32>} : memref<200x512xf32, #tpu.memory_space<vmem>>, vector<16xf32>,
      tpu.vector_store %arg7[%parallel_loop3A_251, %parallel_loop3A_252], %parallel_loop3A_250 {strides = array<i32>} : memref<200x512xf32, #tpu.memory_space<vmem>>, vector<16xf32>,
      %parallel_loop3A_254 = arith.constant 0 : i32
      %parallel_loop3A_255 = vector.broadcast %parallel_loop3A_254 : i32 to vector<16xi32>
      %parallel_loop3A_256 = arith.cmpi slt, %parallel_loop3A_214, %parallel_loop3A_255 : vector<16xi32>
      %parallel_loop3A_257 = arith.constant 16 : i32
      %parallel_loop3A_258 = vector.broadcast %parallel_loop3A_257 : i32 to vector<16xi32>
      %parallel_loop3A_259 = arith.addi %parallel_loop3A_214, %parallel_loop3A_258 : vector<16xi32>
      %parallel_loop3A_260 = arith.select %parallel_loop3A_256, %parallel_loop3A_259, %parallel_loop3A_214 : vector<16xi1>, vector<16xi32>
      %parallel_loop3A_261 = vector.shape_cast %parallel_loop3A_260 : vector<16xi32> to vector<16x1xi32>
      %parallel_loop3A_262 = vector.shape_cast %parallel_loop3A_261 : vector<16x1xi32> to vector<16xi32>
      %parallel_loop3A_263 = tpu.dynamic_gather %gather3A_49[%parallel_loop3A_262] in [0] : vector<16xf32>, vector<16xi32> -> vector<16xf32>
      %parallel_loop3A_264 = arith.index_cast %parallel_loop3A_110 : i32 to index
      %parallel_loop3A_265 = arith.constant 400 : index
      %parallel_loop3A_266 = tpu.vector_load %arg7[%parallel_loop3A_264, %parallel_loop3A_265] {strides = array<i32>} : memref<200x512xf32, #tpu.memory_space<vmem>>, vector<16xf32>,
      tpu.vector_store %arg7[%parallel_loop3A_264, %parallel_loop3A_265], %parallel_loop3A_263 {strides = array<i32>} : memref<200x512xf32, #tpu.memory_space<vmem>>, vector<16xf32>,
      %parallel_loop3A_267 = arith.constant 32 : i32
      %parallel_loop3A_268 = arith.addi %parallel_loop3A_152, %parallel_loop3A_267 : i32
      %parallel_loop3A_269 = arith.index_cast %parallel_loop3A_134 : i32 to index
      %parallel_loop3A_270 = arith.index_cast %parallel_loop3A_268 : i32 to index
      %parallel_loop3A_271 = tpu.vector_load %arg6[%parallel_loop3A_269, %parallel_loop3A_270] {strides = array<i32>} : memref<25x1024xi32, #tpu.memory_space<vmem>>, vector<16xi32>,
      %parallel_loop3A_272 = arith.constant 0 : i32
      %parallel_loop3A_273 = vector.broadcast %parallel_loop3A_272 : i32 to vector<16xi32>
      %parallel_loop3A_274 = arith.cmpi slt, %parallel_loop3A_271, %parallel_loop3A_273 : vector<16xi32>
      %parallel_loop3A_275 = arith.constant 16 : i32
      %parallel_loop3A_276 = vector.broadcast %parallel_loop3A_275 : i32 to vector<16xi32>
      %parallel_loop3A_277 = arith.addi %parallel_loop3A_271, %parallel_loop3A_276 : vector<16xi32>
      %parallel_loop3A_278 = arith.select %parallel_loop3A_274, %parallel_loop3A_277, %parallel_loop3A_271 : vector<16xi1>, vector<16xi32>
      %parallel_loop3A_279 = vector.shape_cast %parallel_loop3A_278 : vector<16xi32> to vector<16x1xi32>
      %parallel_loop3A_280 = vector.shape_cast %parallel_loop3A_279 : vector<16x1xi32> to vector<16xi32>
      %parallel_loop3A_281 = tpu.dynamic_gather %get3A_31[%parallel_loop3A_280] in [0] : vector<16xf32>, vector<16xi32> -> vector<16xf32>
      %parallel_loop3A_282 = arith.index_cast %parallel_loop3A_110 : i32 to index
      %parallel_loop3A_283 = arith.constant 32 : index
      %parallel_loop3A_284 = tpu.vector_load %arg7[%parallel_loop3A_282, %parallel_loop3A_283] {strides = array<i32>} : memref<200x512xf32, #tpu.memory_space<vmem>>, vector<16xf32>,
      tpu.vector_store %arg7[%parallel_loop3A_282, %parallel_loop3A_283], %parallel_loop3A_281 {strides = array<i32>} : memref<200x512xf32, #tpu.memory_space<vmem>>, vector<16xf32>,
      %parallel_loop3A_285 = arith.constant 0 : i32
      %parallel_loop3A_286 = vector.broadcast %parallel_loop3A_285 : i32 to vector<16xi32>
      %parallel_loop3A_287 = arith.cmpi slt, %parallel_loop3A_271, %parallel_loop3A_286 : vector<16xi32>
      %parallel_loop3A_288 = arith.constant 16 : i32
      %parallel_loop3A_289 = vector.broadcast %parallel_loop3A_288 : i32 to vector<16xi32>
      %parallel_loop3A_290 = arith.addi %parallel_loop3A_271, %parallel_loop3A_289 : vector<16xi32>
      %parallel_loop3A_291 = arith.select %parallel_loop3A_287, %parallel_loop3A_290, %parallel_loop3A_271 : vector<16xi1>, vector<16xi32>
      %parallel_loop3A_292 = vector.shape_cast %parallel_loop3A_291 : vector<16xi32> to vector<16x1xi32>
      %parallel_loop3A_293 = vector.shape_cast %parallel_loop3A_292 : vector<16x1xi32> to vector<16xi32>
      %parallel_loop3A_294 = tpu.dynamic_gather %gather3A_39[%parallel_loop3A_293] in [0] : vector<16xf32>, vector<16xi32> -> vector<16xf32>
      %parallel_loop3A_295 = arith.index_cast %parallel_loop3A_110 : i32 to index
      %parallel_loop3A_296 = arith.constant 160 : index
      %parallel_loop3A_297 = tpu.vector_load %arg7[%parallel_loop3A_295, %parallel_loop3A_296] {strides = array<i32>} : memref<200x512xf32, #tpu.memory_space<vmem>>, vector<16xf32>,
      tpu.vector_store %arg7[%parallel_loop3A_295, %parallel_loop3A_296], %parallel_loop3A_294 {strides = array<i32>} : memref<200x512xf32, #tpu.memory_space<vmem>>, vector<16xf32>,
      %parallel_loop3A_298 = arith.constant 0 : i32
      %parallel_loop3A_299 = vector.broadcast %parallel_loop3A_298 : i32 to vector<16xi32>
      %parallel_loop3A_300 = arith.cmpi slt, %parallel_loop3A_271, %parallel_loop3A_299 : vector<16xi32>
      %parallel_loop3A_301 = arith.constant 16 : i32
      %parallel_loop3A_302 = vector.broadcast %parallel_loop3A_301 : i32 to vector<16xi32>
      %parallel_loop3A_303 = arith.addi %parallel_loop3A_271, %parallel_loop3A_302 : vector<16xi32>
      %parallel_loop3A_304 = arith.select %parallel_loop3A_300, %parallel_loop3A_303, %parallel_loop3A_271 : vector<16xi1>, vector<16xi32>
      %parallel_loop3A_305 = vector.shape_cast %parallel_loop3A_304 : vector<16xi32> to vector<16x1xi32>
      %parallel_loop3A_306 = vector.shape_cast %parallel_loop3A_305 : vector<16x1xi32> to vector<16xi32>
      %parallel_loop3A_307 = tpu.dynamic_gather %get3A_33[%parallel_loop3A_306] in [0] : vector<16xf32>, vector<16xi32> -> vector<16xf32>
      %parallel_loop3A_308 = arith.index_cast %parallel_loop3A_110 : i32 to index
      %parallel_loop3A_309 = arith.constant 288 : index
      %parallel_loop3A_310 = tpu.vector_load %arg7[%parallel_loop3A_308, %parallel_loop3A_309] {strides = array<i32>} : memref<200x512xf32, #tpu.memory_space<vmem>>, vector<16xf32>,
      tpu.vector_store %arg7[%parallel_loop3A_308, %parallel_loop3A_309], %parallel_loop3A_307 {strides = array<i32>} : memref<200x512xf32, #tpu.memory_space<vmem>>, vector<16xf32>,
      %parallel_loop3A_311 = arith.constant 0 : i32
      %parallel_loop3A_312 = vector.broadcast %parallel_loop3A_311 : i32 to vector<16xi32>
      %parallel_loop3A_313 = arith.cmpi slt, %parallel_loop3A_271, %parallel_loop3A_312 : vector<16xi32>
      %parallel_loop3A_314 = arith.constant 16 : i32
      %parallel_loop3A_315 = vector.broadcast %parallel_loop3A_314 : i32 to vector<16xi32>
      %parallel_loop3A_316 = arith.addi %parallel_loop3A_271, %parallel_loop3A_315 : vector<16xi32>
      %parallel_loop3A_317 = arith.select %parallel_loop3A_313, %parallel_loop3A_316, %parallel_loop3A_271 : vector<16xi1>, vector<16xi32>
      %parallel_loop3A_318 = vector.shape_cast %parallel_loop3A_317 : vector<16xi32> to vector<16x1xi32>
      %parallel_loop3A_319 = vector.shape_cast %parallel_loop3A_318 : vector<16x1xi32> to vector<16xi32>
      %parallel_loop3A_320 = tpu.dynamic_gather %gather3A_49[%parallel_loop3A_319] in [0] : vector<16xf32>, vector<16xi32> -> vector<16xf32>
      %parallel_loop3A_321 = arith.index_cast %parallel_loop3A_110 : i32 to index
      %parallel_loop3A_322 = arith.constant 416 : index
      %parallel_loop3A_323 = tpu.vector_load %arg7[%parallel_loop3A_321, %parallel_loop3A_322] {strides = array<i32>} : memref<200x512xf32, #tpu.memory_space<vmem>>, vector<16xf32>,
      tpu.vector_store %arg7[%parallel_loop3A_321, %parallel_loop3A_322], %parallel_loop3A_320 {strides = array<i32>} : memref<200x512xf32, #tpu.memory_space<vmem>>, vector<16xf32>,
      %parallel_loop3A_324 = arith.constant 48 : i32
      %parallel_loop3A_325 = arith.addi %parallel_loop3A_152, %parallel_loop3A_324 : i32
      %parallel_loop3A_326 = arith.index_cast %parallel_loop3A_134 : i32 to index
      %parallel_loop3A_327 = arith.index_cast %parallel_loop3A_325 : i32 to index
      %parallel_loop3A_328 = tpu.vector_load %arg6[%parallel_loop3A_326, %parallel_loop3A_327] {strides = array<i32>} : memref<25x1024xi32, #tpu.memory_space<vmem>>, vector<16xi32>,
      %parallel_loop3A_329 = arith.constant 0 : i32
      %parallel_loop3A_330 = vector.broadcast %parallel_loop3A_329 : i32 to vector<16xi32>
      %parallel_loop3A_331 = arith.cmpi slt, %parallel_loop3A_328, %parallel_loop3A_330 : vector<16xi32>
      %parallel_loop3A_332 = arith.constant 16 : i32
      %parallel_loop3A_333 = vector.broadcast %parallel_loop3A_332 : i32 to vector<16xi32>
      %parallel_loop3A_334 = arith.addi %parallel_loop3A_328, %parallel_loop3A_333 : vector<16xi32>
      %parallel_loop3A_335 = arith.select %parallel_loop3A_331, %parallel_loop3A_334, %parallel_loop3A_328 : vector<16xi1>, vector<16xi32>
      %parallel_loop3A_336 = vector.shape_cast %parallel_loop3A_335 : vector<16xi32> to vector<16x1xi32>
      %parallel_loop3A_337 = vector.shape_cast %parallel_loop3A_336 : vector<16x1xi32> to vector<16xi32>
      %parallel_loop3A_338 = tpu.dynamic_gather %get3A_31[%parallel_loop3A_337] in [0] : vector<16xf32>, vector<16xi32> -> vector<16xf32>
      %parallel_loop3A_339 = arith.index_cast %parallel_loop3A_110 : i32 to index
      %parallel_loop3A_340 = arith.constant 48 : index
      %parallel_loop3A_341 = tpu.vector_load %arg7[%parallel_loop3A_339, %parallel_loop3A_340] {strides = array<i32>} : memref<200x512xf32, #tpu.memory_space<vmem>>, vector<16xf32>,
      tpu.vector_store %arg7[%parallel_loop3A_339, %parallel_loop3A_340], %parallel_loop3A_338 {strides = array<i32>} : memref<200x512xf32, #tpu.memory_space<vmem>>, vector<16xf32>,
      %parallel_loop3A_342 = arith.constant 0 : i32
      %parallel_loop3A_343 = vector.broadcast %parallel_loop3A_342 : i32 to vector<16xi32>
      %parallel_loop3A_344 = arith.cmpi slt, %parallel_loop3A_328, %parallel_loop3A_343 : vector<16xi32>
      %parallel_loop3A_345 = arith.constant 16 : i32
      %parallel_loop3A_346 = vector.broadcast %parallel_loop3A_345 : i32 to vector<16xi32>
      %parallel_loop3A_347 = arith.addi %parallel_loop3A_328, %parallel_loop3A_346 : vector<16xi32>
      %parallel_loop3A_348 = arith.select %parallel_loop3A_344, %parallel_loop3A_347, %parallel_loop3A_328 : vector<16xi1>, vector<16xi32>
      %parallel_loop3A_349 = vector.shape_cast %parallel_loop3A_348 : vector<16xi32> to vector<16x1xi32>
      %parallel_loop3A_350 = vector.shape_cast %parallel_loop3A_349 : vector<16x1xi32> to vector<16xi32>
      %parallel_loop3A_351 = tpu.dynamic_gather %gather3A_39[%parallel_loop3A_350] in [0] : vector<16xf32>, vector<16xi32> -> vector<16xf32>
      %parallel_loop3A_352 = arith.index_cast %parallel_loop3A_110 : i32 to index
      %parallel_loop3A_353 = arith.constant 176 : index
      %parallel_loop3A_354 = tpu.vector_load %arg7[%parallel_loop3A_352, %parallel_loop3A_353] {strides = array<i32>} : memref<200x512xf32, #tpu.memory_space<vmem>>, vector<16xf32>,
      tpu.vector_store %arg7[%parallel_loop3A_352, %parallel_loop3A_353], %parallel_loop3A_351 {strides = array<i32>} : memref<200x512xf32, #tpu.memory_space<vmem>>, vector<16xf32>,
      %parallel_loop3A_355 = arith.constant 0 : i32
      %parallel_loop3A_356 = vector.broadcast %parallel_loop3A_355 : i32 to vector<16xi32>
      %parallel_loop3A_357 = arith.cmpi slt, %parallel_loop3A_328, %parallel_loop3A_356 : vector<16xi32>
      %parallel_loop3A_358 = arith.constant 16 : i32
      %parallel_loop3A_359 = vector.broadcast %parallel_loop3A_358 : i32 to vector<16xi32>
      %parallel_loop3A_360 = arith.addi %parallel_loop3A_328, %parallel_loop3A_359 : vector<16xi32>
      %parallel_loop3A_361 = arith.select %parallel_loop3A_357, %parallel_loop3A_360, %parallel_loop3A_328 : vector<16xi1>, vector<16xi32>
      %parallel_loop3A_362 = vector.shape_cast %parallel_loop3A_361 : vector<16xi32> to vector<16x1xi32>
      %parallel_loop3A_363 = vector.shape_cast %parallel_loop3A_362 : vector<16x1xi32> to vector<16xi32>
      %parallel_loop3A_364 = tpu.dynamic_gather %get3A_33[%parallel_loop3A_363] in [0] : vector<16xf32>, vector<16xi32> -> vector<16xf32>
      %parallel_loop3A_365 = arith.index_cast %parallel_loop3A_110 : i32 to index
      %parallel_loop3A_366 = arith.constant 304 : index
      %parallel_loop3A_367 = tpu.vector_load %arg7[%parallel_loop3A_365, %parallel_loop3A_366] {strides = array<i32>} : memref<200x512xf32, #tpu.memory_space<vmem>>, vector<16xf32>,
      tpu.vector_store %arg7[%parallel_loop3A_365, %parallel_loop3A_366], %parallel_loop3A_364 {strides = array<i32>} : memref<200x512xf32, #tpu.memory_space<vmem>>, vector<16xf32>,
      %parallel_loop3A_368 = arith.constant 0 : i32
      %parallel_loop3A_369 = vector.broadcast %parallel_loop3A_368 : i32 to vector<16xi32>
      %parallel_loop3A_370 = arith.cmpi slt, %parallel_loop3A_328, %parallel_loop3A_369 : vector<16xi32>
      %parallel_loop3A_371 = arith.constant 16 : i32
      %parallel_loop3A_372 = vector.broadcast %parallel_loop3A_371 : i32 to vector<16xi32>
      %parallel_loop3A_373 = arith.addi %parallel_loop3A_328, %parallel_loop3A_372 : vector<16xi32>
      %parallel_loop3A_374 = arith.select %parallel_loop3A_370, %parallel_loop3A_373, %parallel_loop3A_328 : vector<16xi1>, vector<16xi32>
      %parallel_loop3A_375 = vector.shape_cast %parallel_loop3A_374 : vector<16xi32> to vector<16x1xi32>
      %parallel_loop3A_376 = vector.shape_cast %parallel_loop3A_375 : vector<16x1xi32> to vector<16xi32>
      %parallel_loop3A_377 = tpu.dynamic_gather %gather3A_49[%parallel_loop3A_376] in [0] : vector<16xf32>, vector<16xi32> -> vector<16xf32>
      %parallel_loop3A_378 = arith.index_cast %parallel_loop3A_110 : i32 to index
      %parallel_loop3A_379 = arith.constant 432 : index
      %parallel_loop3A_380 = tpu.vector_load %arg7[%parallel_loop3A_378, %parallel_loop3A_379] {strides = array<i32>} : memref<200x512xf32, #tpu.memory_space<vmem>>, vector<16xf32>,
      tpu.vector_store %arg7[%parallel_loop3A_378, %parallel_loop3A_379], %parallel_loop3A_377 {strides = array<i32>} : memref<200x512xf32, #tpu.memory_space<vmem>>, vector<16xf32>,
      %parallel_loop3A_381 = arith.constant 64 : i32
      %parallel_loop3A_382 = arith.addi %parallel_loop3A_152, %parallel_loop3A_381 : i32
      %parallel_loop3A_383 = arith.index_cast %parallel_loop3A_134 : i32 to index
      %parallel_loop3A_384 = arith.index_cast %parallel_loop3A_382 : i32 to index
      %parallel_loop3A_385 = tpu.vector_load %arg6[%parallel_loop3A_383, %parallel_loop3A_384] {strides = array<i32>} : memref<25x1024xi32, #tpu.memory_space<vmem>>, vector<16xi32>,
      %parallel_loop3A_386 = arith.constant 0 : i32
      %parallel_loop3A_387 = vector.broadcast %parallel_loop3A_386 : i32 to vector<16xi32>
      %parallel_loop3A_388 = arith.cmpi slt, %parallel_loop3A_385, %parallel_loop3A_387 : vector<16xi32>
      %parallel_loop3A_389 = arith.constant 16 : i32
      %parallel_loop3A_390 = vector.broadcast %parallel_loop3A_389 : i32 to vector<16xi32>
      %parallel_loop3A_391 = arith.addi %parallel_loop3A_385, %parallel_loop3A_390 : vector<16xi32>
      %parallel_loop3A_392 = arith.select %parallel_loop3A_388, %parallel_loop3A_391, %parallel_loop3A_385 : vector<16xi1>, vector<16xi32>
      %parallel_loop3A_393 = vector.shape_cast %parallel_loop3A_392 : vector<16xi32> to vector<16x1xi32>
      %parallel_loop3A_394 = vector.shape_cast %parallel_loop3A_393 : vector<16x1xi32> to vector<16xi32>
      %parallel_loop3A_395 = tpu.dynamic_gather %get3A_31[%parallel_loop3A_394] in [0] : vector<16xf32>, vector<16xi32> -> vector<16xf32>
      %parallel_loop3A_396 = arith.index_cast %parallel_loop3A_110 : i32 to index
      %parallel_loop3A_397 = arith.constant 64 : index
      %parallel_loop3A_398 = tpu.vector_load %arg7[%parallel_loop3A_396, %parallel_loop3A_397] {strides = array<i32>} : memref<200x512xf32, #tpu.memory_space<vmem>>, vector<16xf32>,
      tpu.vector_store %arg7[%parallel_loop3A_396, %parallel_loop3A_397], %parallel_loop3A_395 {strides = array<i32>} : memref<200x512xf32, #tpu.memory_space<vmem>>, vector<16xf32>,
      %parallel_loop3A_399 = arith.constant 0 : i32
      %parallel_loop3A_400 = vector.broadcast %parallel_loop3A_399 : i32 to vector<16xi32>
      %parallel_loop3A_401 = arith.cmpi slt, %parallel_loop3A_385, %parallel_loop3A_400 : vector<16xi32>
      %parallel_loop3A_402 = arith.constant 16 : i32
      %parallel_loop3A_403 = vector.broadcast %parallel_loop3A_402 : i32 to vector<16xi32>
      %parallel_loop3A_404 = arith.addi %parallel_loop3A_385, %parallel_loop3A_403 : vector<16xi32>
      %parallel_loop3A_405 = arith.select %parallel_loop3A_401, %parallel_loop3A_404, %parallel_loop3A_385 : vector<16xi1>, vector<16xi32>
      %parallel_loop3A_406 = vector.shape_cast %parallel_loop3A_405 : vector<16xi32> to vector<16x1xi32>
      %parallel_loop3A_407 = vector.shape_cast %parallel_loop3A_406 : vector<16x1xi32> to vector<16xi32>
      %parallel_loop3A_408 = tpu.dynamic_gather %gather3A_39[%parallel_loop3A_407] in [0] : vector<16xf32>, vector<16xi32> -> vector<16xf32>
      %parallel_loop3A_409 = arith.index_cast %parallel_loop3A_110 : i32 to index
      %parallel_loop3A_410 = arith.constant 192 : index
      %parallel_loop3A_411 = tpu.vector_load %arg7[%parallel_loop3A_409, %parallel_loop3A_410] {strides = array<i32>} : memref<200x512xf32, #tpu.memory_space<vmem>>, vector<16xf32>,
      tpu.vector_store %arg7[%parallel_loop3A_409, %parallel_loop3A_410], %parallel_loop3A_408 {strides = array<i32>} : memref<200x512xf32, #tpu.memory_space<vmem>>, vector<16xf32>,
      %parallel_loop3A_412 = arith.constant 0 : i32
      %parallel_loop3A_413 = vector.broadcast %parallel_loop3A_412 : i32 to vector<16xi32>
      %parallel_loop3A_414 = arith.cmpi slt, %parallel_loop3A_385, %parallel_loop3A_413 : vector<16xi32>
      %parallel_loop3A_415 = arith.constant 16 : i32
      %parallel_loop3A_416 = vector.broadcast %parallel_loop3A_415 : i32 to vector<16xi32>
      %parallel_loop3A_417 = arith.addi %parallel_loop3A_385, %parallel_loop3A_416 : vector<16xi32>
      %parallel_loop3A_418 = arith.select %parallel_loop3A_414, %parallel_loop3A_417, %parallel_loop3A_385 : vector<16xi1>, vector<16xi32>
      %parallel_loop3A_419 = vector.shape_cast %parallel_loop3A_418 : vector<16xi32> to vector<16x1xi32>
      %parallel_loop3A_420 = vector.shape_cast %parallel_loop3A_419 : vector<16x1xi32> to vector<16xi32>
      %parallel_loop3A_421 = tpu.dynamic_gather %get3A_33[%parallel_loop3A_420] in [0] : vector<16xf32>, vector<16xi32> -> vector<16xf32>
      %parallel_loop3A_422 = arith.index_cast %parallel_loop3A_110 : i32 to index
      %parallel_loop3A_423 = arith.constant 320 : index
      %parallel_loop3A_424 = tpu.vector_load %arg7[%parallel_loop3A_422, %parallel_loop3A_423] {strides = array<i32>} : memref<200x512xf32, #tpu.memory_space<vmem>>, vector<16xf32>,
      tpu.vector_store %arg7[%parallel_loop3A_422, %parallel_loop3A_423], %parallel_loop3A_421 {strides = array<i32>} : memref<200x512xf32, #tpu.memory_space<vmem>>, vector<16xf32>,
      %parallel_loop3A_425 = arith.constant 0 : i32
      %parallel_loop3A_426 = vector.broadcast %parallel_loop3A_425 : i32 to vector<16xi32>
      %parallel_loop3A_427 = arith.cmpi slt, %parallel_loop3A_385, %parallel_loop3A_426 : vector<16xi32>
      %parallel_loop3A_428 = arith.constant 16 : i32
      %parallel_loop3A_429 = vector.broadcast %parallel_loop3A_428 : i32 to vector<16xi32>
      %parallel_loop3A_430 = arith.addi %parallel_loop3A_385, %parallel_loop3A_429 : vector<16xi32>
      %parallel_loop3A_431 = arith.select %parallel_loop3A_427, %parallel_loop3A_430, %parallel_loop3A_385 : vector<16xi1>, vector<16xi32>
      %parallel_loop3A_432 = vector.shape_cast %parallel_loop3A_431 : vector<16xi32> to vector<16x1xi32>
      %parallel_loop3A_433 = vector.shape_cast %parallel_loop3A_432 : vector<16x1xi32> to vector<16xi32>
      %parallel_loop3A_434 = tpu.dynamic_gather %gather3A_49[%parallel_loop3A_433] in [0] : vector<16xf32>, vector<16xi32> -> vector<16xf32>
      %parallel_loop3A_435 = arith.index_cast %parallel_loop3A_110 : i32 to index
      %parallel_loop3A_436 = arith.constant 448 : index
      %parallel_loop3A_437 = tpu.vector_load %arg7[%parallel_loop3A_435, %parallel_loop3A_436] {strides = array<i32>} : memref<200x512xf32, #tpu.memory_space<vmem>>, vector<16xf32>,
      tpu.vector_store %arg7[%parallel_loop3A_435, %parallel_loop3A_436], %parallel_loop3A_434 {strides = array<i32>} : memref<200x512xf32, #tpu.memory_space<vmem>>, vector<16xf32>,
      %parallel_loop3A_438 = arith.constant 80 : i32
      %parallel_loop3A_439 = arith.addi %parallel_loop3A_152, %parallel_loop3A_438 : i32
      %parallel_loop3A_440 = arith.index_cast %parallel_loop3A_134 : i32 to index
      %parallel_loop3A_441 = arith.index_cast %parallel_loop3A_439 : i32 to index
      %parallel_loop3A_442 = tpu.vector_load %arg6[%parallel_loop3A_440, %parallel_loop3A_441] {strides = array<i32>} : memref<25x1024xi32, #tpu.memory_space<vmem>>, vector<16xi32>,
      %parallel_loop3A_443 = arith.constant 0 : i32
      %parallel_loop3A_444 = vector.broadcast %parallel_loop3A_443 : i32 to vector<16xi32>
      %parallel_loop3A_445 = arith.cmpi slt, %parallel_loop3A_442, %parallel_loop3A_444 : vector<16xi32>
      %parallel_loop3A_446 = arith.constant 16 : i32
      %parallel_loop3A_447 = vector.broadcast %parallel_loop3A_446 : i32 to vector<16xi32>
      %parallel_loop3A_448 = arith.addi %parallel_loop3A_442, %parallel_loop3A_447 : vector<16xi32>
      %parallel_loop3A_449 = arith.select %parallel_loop3A_445, %parallel_loop3A_448, %parallel_loop3A_442 : vector<16xi1>, vector<16xi32>
      %parallel_loop3A_450 = vector.shape_cast %parallel_loop3A_449 : vector<16xi32> to vector<16x1xi32>
      %parallel_loop3A_451 = vector.shape_cast %parallel_loop3A_450 : vector<16x1xi32> to vector<16xi32>
      %parallel_loop3A_452 = tpu.dynamic_gather %get3A_31[%parallel_loop3A_451] in [0] : vector<16xf32>, vector<16xi32> -> vector<16xf32>
      %parallel_loop3A_453 = arith.index_cast %parallel_loop3A_110 : i32 to index
      %parallel_loop3A_454 = arith.constant 80 : index
      %parallel_loop3A_455 = tpu.vector_load %arg7[%parallel_loop3A_453, %parallel_loop3A_454] {strides = array<i32>} : memref<200x512xf32, #tpu.memory_space<vmem>>, vector<16xf32>,
      tpu.vector_store %arg7[%parallel_loop3A_453, %parallel_loop3A_454], %parallel_loop3A_452 {strides = array<i32>} : memref<200x512xf32, #tpu.memory_space<vmem>>, vector<16xf32>,
      %parallel_loop3A_456 = arith.constant 0 : i32
      %parallel_loop3A_457 = vector.broadcast %parallel_loop3A_456 : i32 to vector<16xi32>
      %parallel_loop3A_458 = arith.cmpi slt, %parallel_loop3A_442, %parallel_loop3A_457 : vector<16xi32>
      %parallel_loop3A_459 = arith.constant 16 : i32
      %parallel_loop3A_460 = vector.broadcast %parallel_loop3A_459 : i32 to vector<16xi32>
      %parallel_loop3A_461 = arith.addi %parallel_loop3A_442, %parallel_loop3A_460 : vector<16xi32>
      %parallel_loop3A_462 = arith.select %parallel_loop3A_458, %parallel_loop3A_461, %parallel_loop3A_442 : vector<16xi1>, vector<16xi32>
      %parallel_loop3A_463 = vector.shape_cast %parallel_loop3A_462 : vector<16xi32> to vector<16x1xi32>
      %parallel_loop3A_464 = vector.shape_cast %parallel_loop3A_463 : vector<16x1xi32> to vector<16xi32>
      %parallel_loop3A_465 = tpu.dynamic_gather %gather3A_39[%parallel_loop3A_464] in [0] : vector<16xf32>, vector<16xi32> -> vector<16xf32>
      %parallel_loop3A_466 = arith.index_cast %parallel_loop3A_110 : i32 to index
      %parallel_loop3A_467 = arith.constant 208 : index
      %parallel_loop3A_468 = tpu.vector_load %arg7[%parallel_loop3A_466, %parallel_loop3A_467] {strides = array<i32>} : memref<200x512xf32, #tpu.memory_space<vmem>>, vector<16xf32>,
      tpu.vector_store %arg7[%parallel_loop3A_466, %parallel_loop3A_467], %parallel_loop3A_465 {strides = array<i32>} : memref<200x512xf32, #tpu.memory_space<vmem>>, vector<16xf32>,
      %parallel_loop3A_469 = arith.constant 0 : i32
      %parallel_loop3A_470 = vector.broadcast %parallel_loop3A_469 : i32 to vector<16xi32>
      %parallel_loop3A_471 = arith.cmpi slt, %parallel_loop3A_442, %parallel_loop3A_470 : vector<16xi32>
      %parallel_loop3A_472 = arith.constant 16 : i32
      %parallel_loop3A_473 = vector.broadcast %parallel_loop3A_472 : i32 to vector<16xi32>
      %parallel_loop3A_474 = arith.addi %parallel_loop3A_442, %parallel_loop3A_473 : vector<16xi32>
      %parallel_loop3A_475 = arith.select %parallel_loop3A_471, %parallel_loop3A_474, %parallel_loop3A_442 : vector<16xi1>, vector<16xi32>
      %parallel_loop3A_476 = vector.shape_cast %parallel_loop3A_475 : vector<16xi32> to vector<16x1xi32>
      %parallel_loop3A_477 = vector.shape_cast %parallel_loop3A_476 : vector<16x1xi32> to vector<16xi32>
      %parallel_loop3A_478 = tpu.dynamic_gather %get3A_33[%parallel_loop3A_477] in [0] : vector<16xf32>, vector<16xi32> -> vector<16xf32>
      %parallel_loop3A_479 = arith.index_cast %parallel_loop3A_110 : i32 to index
      %parallel_loop3A_480 = arith.constant 336 : index
      %parallel_loop3A_481 = tpu.vector_load %arg7[%parallel_loop3A_479, %parallel_loop3A_480] {strides = array<i32>} : memref<200x512xf32, #tpu.memory_space<vmem>>, vector<16xf32>,
      tpu.vector_store %arg7[%parallel_loop3A_479, %parallel_loop3A_480], %parallel_loop3A_478 {strides = array<i32>} : memref<200x512xf32, #tpu.memory_space<vmem>>, vector<16xf32>,
      %parallel_loop3A_482 = arith.constant 0 : i32
      %parallel_loop3A_483 = vector.broadcast %parallel_loop3A_482 : i32 to vector<16xi32>
      %parallel_loop3A_484 = arith.cmpi slt, %parallel_loop3A_442, %parallel_loop3A_483 : vector<16xi32>
      %parallel_loop3A_485 = arith.constant 16 : i32
      %parallel_loop3A_486 = vector.broadcast %parallel_loop3A_485 : i32 to vector<16xi32>
      %parallel_loop3A_487 = arith.addi %parallel_loop3A_442, %parallel_loop3A_486 : vector<16xi32>
      %parallel_loop3A_488 = arith.select %parallel_loop3A_484, %parallel_loop3A_487, %parallel_loop3A_442 : vector<16xi1>, vector<16xi32>
      %parallel_loop3A_489 = vector.shape_cast %parallel_loop3A_488 : vector<16xi32> to vector<16x1xi32>
      %parallel_loop3A_490 = vector.shape_cast %parallel_loop3A_489 : vector<16x1xi32> to vector<16xi32>
      %parallel_loop3A_491 = tpu.dynamic_gather %gather3A_49[%parallel_loop3A_490] in [0] : vector<16xf32>, vector<16xi32> -> vector<16xf32>
      %parallel_loop3A_492 = arith.index_cast %parallel_loop3A_110 : i32 to index
      %parallel_loop3A_493 = arith.constant 464 : index
      %parallel_loop3A_494 = tpu.vector_load %arg7[%parallel_loop3A_492, %parallel_loop3A_493] {strides = array<i32>} : memref<200x512xf32, #tpu.memory_space<vmem>>, vector<16xf32>,
      tpu.vector_store %arg7[%parallel_loop3A_492, %parallel_loop3A_493], %parallel_loop3A_491 {strides = array<i32>} : memref<200x512xf32, #tpu.memory_space<vmem>>, vector<16xf32>,
      %parallel_loop3A_495 = arith.constant 96 : i32
      %parallel_loop3A_496 = arith.addi %parallel_loop3A_152, %parallel_loop3A_495 : i32
      %parallel_loop3A_497 = arith.index_cast %parallel_loop3A_134 : i32 to index
      %parallel_loop3A_498 = arith.index_cast %parallel_loop3A_496 : i32 to index
      %parallel_loop3A_499 = tpu.vector_load %arg6[%parallel_loop3A_497, %parallel_loop3A_498] {strides = array<i32>} : memref<25x1024xi32, #tpu.memory_space<vmem>>, vector<16xi32>,
      %parallel_loop3A_500 = arith.constant 0 : i32
      %parallel_loop3A_501 = vector.broadcast %parallel_loop3A_500 : i32 to vector<16xi32>
      %parallel_loop3A_502 = arith.cmpi slt, %parallel_loop3A_499, %parallel_loop3A_501 : vector<16xi32>
      %parallel_loop3A_503 = arith.constant 16 : i32
      %parallel_loop3A_504 = vector.broadcast %parallel_loop3A_503 : i32 to vector<16xi32>
      %parallel_loop3A_505 = arith.addi %parallel_loop3A_499, %parallel_loop3A_504 : vector<16xi32>
      %parallel_loop3A_506 = arith.select %parallel_loop3A_502, %parallel_loop3A_505, %parallel_loop3A_499 : vector<16xi1>, vector<16xi32>
      %parallel_loop3A_507 = vector.shape_cast %parallel_loop3A_506 : vector<16xi32> to vector<16x1xi32>
      %parallel_loop3A_508 = vector.shape_cast %parallel_loop3A_507 : vector<16x1xi32> to vector<16xi32>
      %parallel_loop3A_509 = tpu.dynamic_gather %get3A_31[%parallel_loop3A_508] in [0] : vector<16xf32>, vector<16xi32> -> vector<16xf32>
      %parallel_loop3A_510 = arith.index_cast %parallel_loop3A_110 : i32 to index
      %parallel_loop3A_511 = arith.constant 96 : index
      %parallel_loop3A_512 = tpu.vector_load %arg7[%parallel_loop3A_510, %parallel_loop3A_511] {strides = array<i32>} : memref<200x512xf32, #tpu.memory_space<vmem>>, vector<16xf32>,
      tpu.vector_store %arg7[%parallel_loop3A_510, %parallel_loop3A_511], %parallel_loop3A_509 {strides = array<i32>} : memref<200x512xf32, #tpu.memory_space<vmem>>, vector<16xf32>,
      %parallel_loop3A_513 = arith.constant 0 : i32
      %parallel_loop3A_514 = vector.broadcast %parallel_loop3A_513 : i32 to vector<16xi32>
      %parallel_loop3A_515 = arith.cmpi slt, %parallel_loop3A_499, %parallel_loop3A_514 : vector<16xi32>
      %parallel_loop3A_516 = arith.constant 16 : i32
      %parallel_loop3A_517 = vector.broadcast %parallel_loop3A_516 : i32 to vector<16xi32>
      %parallel_loop3A_518 = arith.addi %parallel_loop3A_499, %parallel_loop3A_517 : vector<16xi32>
      %parallel_loop3A_519 = arith.select %parallel_loop3A_515, %parallel_loop3A_518, %parallel_loop3A_499 : vector<16xi1>, vector<16xi32>
      %parallel_loop3A_520 = vector.shape_cast %parallel_loop3A_519 : vector<16xi32> to vector<16x1xi32>
      %parallel_loop3A_521 = vector.shape_cast %parallel_loop3A_520 : vector<16x1xi32> to vector<16xi32>
      %parallel_loop3A_522 = tpu.dynamic_gather %gather3A_39[%parallel_loop3A_521] in [0] : vector<16xf32>, vector<16xi32> -> vector<16xf32>
      %parallel_loop3A_523 = arith.index_cast %parallel_loop3A_110 : i32 to index
      %parallel_loop3A_524 = arith.constant 224 : index
      %parallel_loop3A_525 = tpu.vector_load %arg7[%parallel_loop3A_523, %parallel_loop3A_524] {strides = array<i32>} : memref<200x512xf32, #tpu.memory_space<vmem>>, vector<16xf32>,
      tpu.vector_store %arg7[%parallel_loop3A_523, %parallel_loop3A_524], %parallel_loop3A_522 {strides = array<i32>} : memref<200x512xf32, #tpu.memory_space<vmem>>, vector<16xf32>,
      %parallel_loop3A_526 = arith.constant 0 : i32
      %parallel_loop3A_527 = vector.broadcast %parallel_loop3A_526 : i32 to vector<16xi32>
      %parallel_loop3A_528 = arith.cmpi slt, %parallel_loop3A_499, %parallel_loop3A_527 : vector<16xi32>
      %parallel_loop3A_529 = arith.constant 16 : i32
      %parallel_loop3A_530 = vector.broadcast %parallel_loop3A_529 : i32 to vector<16xi32>
      %parallel_loop3A_531 = arith.addi %parallel_loop3A_499, %parallel_loop3A_530 : vector<16xi32>
      %parallel_loop3A_532 = arith.select %parallel_loop3A_528, %parallel_loop3A_531, %parallel_loop3A_499 : vector<16xi1>, vector<16xi32>
      %parallel_loop3A_533 = vector.shape_cast %parallel_loop3A_532 : vector<16xi32> to vector<16x1xi32>
      %parallel_loop3A_534 = vector.shape_cast %parallel_loop3A_533 : vector<16x1xi32> to vector<16xi32>
      %parallel_loop3A_535 = tpu.dynamic_gather %get3A_33[%parallel_loop3A_534] in [0] : vector<16xf32>, vector<16xi32> -> vector<16xf32>
      %parallel_loop3A_536 = arith.index_cast %parallel_loop3A_110 : i32 to index
      %parallel_loop3A_537 = arith.constant 352 : index
      %parallel_loop3A_538 = tpu.vector_load %arg7[%parallel_loop3A_536, %parallel_loop3A_537] {strides = array<i32>} : memref<200x512xf32, #tpu.memory_space<vmem>>, vector<16xf32>,
      tpu.vector_store %arg7[%parallel_loop3A_536, %parallel_loop3A_537], %parallel_loop3A_535 {strides = array<i32>} : memref<200x512xf32, #tpu.memory_space<vmem>>, vector<16xf32>,
      %parallel_loop3A_539 = arith.constant 0 : i32
      %parallel_loop3A_540 = vector.broadcast %parallel_loop3A_539 : i32 to vector<16xi32>
      %parallel_loop3A_541 = arith.cmpi slt, %parallel_loop3A_499, %parallel_loop3A_540 : vector<16xi32>
      %parallel_loop3A_542 = arith.constant 16 : i32
      %parallel_loop3A_543 = vector.broadcast %parallel_loop3A_542 : i32 to vector<16xi32>
      %parallel_loop3A_544 = arith.addi %parallel_loop3A_499, %parallel_loop3A_543 : vector<16xi32>
      %parallel_loop3A_545 = arith.select %parallel_loop3A_541, %parallel_loop3A_544, %parallel_loop3A_499 : vector<16xi1>, vector<16xi32>
      %parallel_loop3A_546 = vector.shape_cast %parallel_loop3A_545 : vector<16xi32> to vector<16x1xi32>
      %parallel_loop3A_547 = vector.shape_cast %parallel_loop3A_546 : vector<16x1xi32> to vector<16xi32>
      %parallel_loop3A_548 = tpu.dynamic_gather %gather3A_49[%parallel_loop3A_547] in [0] : vector<16xf32>, vector<16xi32> -> vector<16xf32>
      %parallel_loop3A_549 = arith.index_cast %parallel_loop3A_110 : i32 to index
      %parallel_loop3A_550 = arith.constant 480 : index
      %parallel_loop3A_551 = tpu.vector_load %arg7[%parallel_loop3A_549, %parallel_loop3A_550] {strides = array<i32>} : memref<200x512xf32, #tpu.memory_space<vmem>>, vector<16xf32>,
      tpu.vector_store %arg7[%parallel_loop3A_549, %parallel_loop3A_550], %parallel_loop3A_548 {strides = array<i32>} : memref<200x512xf32, #tpu.memory_space<vmem>>, vector<16xf32>,
      %parallel_loop3A_552 = arith.constant 112 : i32
      %parallel_loop3A_553 = arith.addi %parallel_loop3A_152, %parallel_loop3A_552 : i32
      %parallel_loop3A_554 = arith.index_cast %parallel_loop3A_134 : i32 to index
      %parallel_loop3A_555 = arith.index_cast %parallel_loop3A_553 : i32 to index
      %parallel_loop3A_556 = tpu.vector_load %arg6[%parallel_loop3A_554, %parallel_loop3A_555] {strides = array<i32>} : memref<25x1024xi32, #tpu.memory_space<vmem>>, vector<16xi32>,
      %parallel_loop3A_557 = arith.constant 0 : i32
      %parallel_loop3A_558 = vector.broadcast %parallel_loop3A_557 : i32 to vector<16xi32>
      %parallel_loop3A_559 = arith.cmpi slt, %parallel_loop3A_556, %parallel_loop3A_558 : vector<16xi32>
      %parallel_loop3A_560 = arith.constant 16 : i32
      %parallel_loop3A_561 = vector.broadcast %parallel_loop3A_560 : i32 to vector<16xi32>
      %parallel_loop3A_562 = arith.addi %parallel_loop3A_556, %parallel_loop3A_561 : vector<16xi32>
      %parallel_loop3A_563 = arith.select %parallel_loop3A_559, %parallel_loop3A_562, %parallel_loop3A_556 : vector<16xi1>, vector<16xi32>
      %parallel_loop3A_564 = vector.shape_cast %parallel_loop3A_563 : vector<16xi32> to vector<16x1xi32>
      %parallel_loop3A_565 = vector.shape_cast %parallel_loop3A_564 : vector<16x1xi32> to vector<16xi32>
      %parallel_loop3A_566 = tpu.dynamic_gather %get3A_31[%parallel_loop3A_565] in [0] : vector<16xf32>, vector<16xi32> -> vector<16xf32>
      %parallel_loop3A_567 = arith.index_cast %parallel_loop3A_110 : i32 to index
      %parallel_loop3A_568 = arith.constant 112 : index
      %parallel_loop3A_569 = tpu.vector_load %arg7[%parallel_loop3A_567, %parallel_loop3A_568] {strides = array<i32>} : memref<200x512xf32, #tpu.memory_space<vmem>>, vector<16xf32>,
      tpu.vector_store %arg7[%parallel_loop3A_567, %parallel_loop3A_568], %parallel_loop3A_566 {strides = array<i32>} : memref<200x512xf32, #tpu.memory_space<vmem>>, vector<16xf32>,
      %parallel_loop3A_570 = arith.constant 0 : i32
      %parallel_loop3A_571 = vector.broadcast %parallel_loop3A_570 : i32 to vector<16xi32>
      %parallel_loop3A_572 = arith.cmpi slt, %parallel_loop3A_556, %parallel_loop3A_571 : vector<16xi32>
      %parallel_loop3A_573 = arith.constant 16 : i32
      %parallel_loop3A_574 = vector.broadcast %parallel_loop3A_573 : i32 to vector<16xi32>
      %parallel_loop3A_575 = arith.addi %parallel_loop3A_556, %parallel_loop3A_574 : vector<16xi32>
      %parallel_loop3A_576 = arith.select %parallel_loop3A_572, %parallel_loop3A_575, %parallel_loop3A_556 : vector<16xi1>, vector<16xi32>
      %parallel_loop3A_577 = vector.shape_cast %parallel_loop3A_576 : vector<16xi32> to vector<16x1xi32>
      %parallel_loop3A_578 = vector.shape_cast %parallel_loop3A_577 : vector<16x1xi32> to vector<16xi32>
      %parallel_loop3A_579 = tpu.dynamic_gather %gather3A_39[%parallel_loop3A_578] in [0] : vector<16xf32>, vector<16xi32> -> vector<16xf32>
      %parallel_loop3A_580 = arith.index_cast %parallel_loop3A_110 : i32 to index
      %parallel_loop3A_581 = arith.constant 240 : index
      %parallel_loop3A_582 = tpu.vector_load %arg7[%parallel_loop3A_580, %parallel_loop3A_581] {strides = array<i32>} : memref<200x512xf32, #tpu.memory_space<vmem>>, vector<16xf32>,
      tpu.vector_store %arg7[%parallel_loop3A_580, %parallel_loop3A_581], %parallel_loop3A_579 {strides = array<i32>} : memref<200x512xf32, #tpu.memory_space<vmem>>, vector<16xf32>,
      %parallel_loop3A_583 = arith.constant 0 : i32
      %parallel_loop3A_584 = vector.broadcast %parallel_loop3A_583 : i32 to vector<16xi32>
      %parallel_loop3A_585 = arith.cmpi slt, %parallel_loop3A_556, %parallel_loop3A_584 : vector<16xi32>
      %parallel_loop3A_586 = arith.constant 16 : i32
      %parallel_loop3A_587 = vector.broadcast %parallel_loop3A_586 : i32 to vector<16xi32>
      %parallel_loop3A_588 = arith.addi %parallel_loop3A_556, %parallel_loop3A_587 : vector<16xi32>
      %parallel_loop3A_589 = arith.select %parallel_loop3A_585, %parallel_loop3A_588, %parallel_loop3A_556 : vector<16xi1>, vector<16xi32>
      %parallel_loop3A_590 = vector.shape_cast %parallel_loop3A_589 : vector<16xi32> to vector<16x1xi32>
      %parallel_loop3A_591 = vector.shape_cast %parallel_loop3A_590 : vector<16x1xi32> to vector<16xi32>
      %parallel_loop3A_592 = tpu.dynamic_gather %get3A_33[%parallel_loop3A_591] in [0] : vector<16xf32>, vector<16xi32> -> vector<16xf32>
      %parallel_loop3A_593 = arith.index_cast %parallel_loop3A_110 : i32 to index
      %parallel_loop3A_594 = arith.constant 368 : index
      %parallel_loop3A_595 = tpu.vector_load %arg7[%parallel_loop3A_593, %parallel_loop3A_594] {strides = array<i32>} : memref<200x512xf32, #tpu.memory_space<vmem>>, vector<16xf32>,
      tpu.vector_store %arg7[%parallel_loop3A_593, %parallel_loop3A_594], %parallel_loop3A_592 {strides = array<i32>} : memref<200x512xf32, #tpu.memory_space<vmem>>, vector<16xf32>,
      %parallel_loop3A_596 = arith.constant 0 : i32
      %parallel_loop3A_597 = vector.broadcast %parallel_loop3A_596 : i32 to vector<16xi32>
      %parallel_loop3A_598 = arith.cmpi slt, %parallel_loop3A_556, %parallel_loop3A_597 : vector<16xi32>
      %parallel_loop3A_599 = arith.constant 16 : i32
      %parallel_loop3A_600 = vector.broadcast %parallel_loop3A_599 : i32 to vector<16xi32>
      %parallel_loop3A_601 = arith.addi %parallel_loop3A_556, %parallel_loop3A_600 : vector<16xi32>
      %parallel_loop3A_602 = arith.select %parallel_loop3A_598, %parallel_loop3A_601, %parallel_loop3A_556 : vector<16xi1>, vector<16xi32>
      %parallel_loop3A_603 = vector.shape_cast %parallel_loop3A_602 : vector<16xi32> to vector<16x1xi32>
      %parallel_loop3A_604 = vector.shape_cast %parallel_loop3A_603 : vector<16x1xi32> to vector<16xi32>
      %parallel_loop3A_605 = tpu.dynamic_gather %gather3A_49[%parallel_loop3A_604] in [0] : vector<16xf32>, vector<16xi32> -> vector<16xf32>
      %parallel_loop3A_606 = arith.index_cast %parallel_loop3A_110 : i32 to index
      %parallel_loop3A_607 = arith.constant 496 : index
      %parallel_loop3A_608 = tpu.vector_load %arg7[%parallel_loop3A_606, %parallel_loop3A_607] {strides = array<i32>} : memref<200x512xf32, #tpu.memory_space<vmem>>, vector<16xf32>,
      tpu.vector_store %arg7[%parallel_loop3A_606, %parallel_loop3A_607], %parallel_loop3A_605 {strides = array<i32>} : memref<200x512xf32, #tpu.memory_space<vmem>>, vector<16xf32>,
    } {sc.loop_unroll_factor = 4 : i64, sc.parallel_access}
    %dma_wait3A_65 = arith.constant 13 : i32
    %dma_wait3A_66 = arith.constant 0 : i32
    %dma_wait3A_67 = tpu.memref_slice %arg6[%dma_wait3A_65, %dma_wait3A_66] : memref<25x1024xi32, #tpu.memory_space<vmem>> -> memref<12x1024xi32, #tpu.memory_space<vmem>>
    %dma_wait3A_68 = arith.constant 13 : i32
    %dma_wait3A_69 = arith.constant 0 : i32
    %dma_wait3A_70 = tpu.memref_slice %arg2[%dma_wait3A_68, %add3A, %dma_wait3A_69] : memref<25x32x1024xi32, #tpu.memory_space<hbm>> -> memref<12x1x1024xi32, #tpu.memory_space<hbm>>
    %dma_wait3A_71 = tpu.memref_squeeze %dma_wait3A_70 : memref<12x1x1024xi32, #tpu.memory_space<hbm>> -> memref<12x1024xi32, #tpu.memory_space<hbm>>
    %dma_wait3A_72 = arith.constant 13 : i32
    %dma_wait3A_73 = arith.constant 0 : i32
    %dma_wait3A_74 = tpu.memref_slice %arg6[%dma_wait3A_72, %dma_wait3A_73] : memref<25x1024xi32, #tpu.memory_space<vmem>> -> memref<12x1024xi32, #tpu.memory_space<vmem>>
    %dma_wait3A_75 = arith.constant 13 : i32
    %dma_wait3A_76 = arith.constant 0 : i32
    %dma_wait3A_77 = tpu.memref_slice %arg2[%dma_wait3A_75, %add3A, %dma_wait3A_76] : memref<25x32x1024xi32, #tpu.memory_space<hbm>> -> memref<12x1x1024xi32, #tpu.memory_space<hbm>>
    %dma_wait3A_78 = tpu.memref_squeeze %dma_wait3A_77 : memref<12x1x1024xi32, #tpu.memory_space<hbm>> -> memref<12x1024xi32, #tpu.memory_space<hbm>>
    tpu.wait_dma2 semaphore(%arg9 : memref<!tpu.dma_semaphore, #tpu.memory_space<semaphore_mem>>) src(%dma_wait3A_78 : memref<12x1024xi32, #tpu.memory_space<hbm>>) dst(%dma_wait3A_74 : memref<12x1024xi32, #tpu.memory_space<vmem>>)
    %dma_start3A_79 = arith.constant 0 : i32
    %dma_start3A_80 = arith.constant 0 : i32
    %dma_start3A_81 = tpu.memref_slice %arg7[%dma_start3A_79, %dma_start3A_80] : memref<200x512xf32, #tpu.memory_space<vmem>> -> memref<100x512xf32, #tpu.memory_space<vmem>>
    %dma_start3A_82 = arith.constant 0 : i32
    %dma_start3A_83 = arith.constant 0 : i32
    %dma_start3A_84 = tpu.memref_slice %arg4[%dma_start3A_82, %add3A, %dma_start3A_83] : memref<200x32x512xf32, #tpu.memory_space<hbm>> -> memref<100x1x512xf32, #tpu.memory_space<hbm>>
    %dma_start3A_85 = tpu.memref_squeeze %dma_start3A_84 : memref<100x1x512xf32, #tpu.memory_space<hbm>> -> memref<100x512xf32, #tpu.memory_space<hbm>>
    %dma_start3A_86 = arith.constant 0 : i32
    %dma_start3A_87 = arith.constant 0 : i32
    %dma_start3A_88 = tpu.memref_slice %arg4[%dma_start3A_86, %add3A, %dma_start3A_87] : memref<200x32x512xf32, #tpu.memory_space<hbm>> -> memref<100x1x512xf32, #tpu.memory_space<hbm>>
    %dma_start3A_89 = tpu.memref_squeeze %dma_start3A_88 : memref<100x1x512xf32, #tpu.memory_space<hbm>> -> memref<100x512xf32, #tpu.memory_space<hbm>>
    %dma_start3A_90 = arith.constant 0 : i32
    %dma_start3A_91 = arith.constant 0 : i32
    %dma_start3A_92 = tpu.memref_slice %arg7[%dma_start3A_90, %dma_start3A_91] : memref<200x512xf32, #tpu.memory_space<vmem>> -> memref<100x512xf32, #tpu.memory_space<vmem>>
    tpu.enqueue_dma source(%dma_start3A_92 : memref<100x512xf32, #tpu.memory_space<vmem>>) target(%dma_start3A_89 : memref<100x512xf32, #tpu.memory_space<hbm>>) target_semaphore(%arg8 : memref<!tpu.dma_semaphore, #tpu.memory_space<semaphore_mem>>)
    %parallel_loop3A_93 = arith.constant 100 : i32
    %parallel_loop3A_94 = arith.constant 200 : i32
    %parallel_loop3A_95 = arith.constant 1 : i32
    scf.for %parallel_loop3A_110 = %parallel_loop3A_93 to %parallel_loop3A_94 step %parallel_loop3A_95  : i32 {
      %parallel_loop3A_111 = arith.constant 8 : i32
      %parallel_loop3A_112 = arith.divsi %parallel_loop3A_110, %parallel_loop3A_111 : i32
      %parallel_loop3A_113 = arith.constant 0 : i32
      %parallel_loop3A_114 = arith.cmpi sgt, %parallel_loop3A_110, %parallel_loop3A_113 : i32
      %parallel_loop3A_115 = arith.extui %parallel_loop3A_114 : i1 to i32
      %parallel_loop3A_116 = arith.constant 0 : i32
      %parallel_loop3A_117 = arith.cmpi slt, %parallel_loop3A_110, %parallel_loop3A_116 : i32
      %parallel_loop3A_118 = arith.extui %parallel_loop3A_117 : i1 to i32
      %parallel_loop3A_119 = arith.subi %parallel_loop3A_115, %parallel_loop3A_118 : i32
      %parallel_loop3A_120 = arith.constant 0 : i32
      %parallel_loop3A_121 = arith.cmpi sgt, %parallel_loop3A_111, %parallel_loop3A_120 : i32
      %parallel_loop3A_122 = arith.extui %parallel_loop3A_121 : i1 to i32
      %parallel_loop3A_123 = arith.constant 0 : i32
      %parallel_loop3A_124 = arith.cmpi slt, %parallel_loop3A_111, %parallel_loop3A_123 : i32
      %parallel_loop3A_125 = arith.extui %parallel_loop3A_124 : i1 to i32
      %parallel_loop3A_126 = arith.subi %parallel_loop3A_122, %parallel_loop3A_125 : i32
      %parallel_loop3A_127 = arith.cmpi ne, %parallel_loop3A_119, %parallel_loop3A_126 : i32
      %parallel_loop3A_128 = arith.remsi %parallel_loop3A_110, %parallel_loop3A_111 : i32
      %parallel_loop3A_129 = arith.constant 0 : i32
      %parallel_loop3A_130 = arith.cmpi ne, %parallel_loop3A_128, %parallel_loop3A_129 : i32
      %parallel_loop3A_131 = arith.andi %parallel_loop3A_127, %parallel_loop3A_130 : i1
      %parallel_loop3A_132 = arith.constant 1 : i32
      %parallel_loop3A_133 = arith.subi %parallel_loop3A_112, %parallel_loop3A_132 : i32
      %parallel_loop3A_134 = arith.select %parallel_loop3A_131, %parallel_loop3A_133, %parallel_loop3A_112 : i32
      %parallel_loop3A_135 = arith.constant 8 : i32
      %parallel_loop3A_136 = arith.constant 0 : i32
      %parallel_loop3A_137 = arith.cmpi eq, %parallel_loop3A_135, %parallel_loop3A_136 : i32
      %parallel_loop3A_138 = arith.constant 1 : i32
      %parallel_loop3A_139 = arith.select %parallel_loop3A_137, %parallel_loop3A_138, %parallel_loop3A_135 : i32
      %parallel_loop3A_140 = arith.remsi %parallel_loop3A_110, %parallel_loop3A_139 : i32
      %parallel_loop3A_141 = arith.constant 0 : i32
      %parallel_loop3A_142 = arith.cmpi ne, %parallel_loop3A_140, %parallel_loop3A_141 : i32
      %parallel_loop3A_143 = arith.constant 0 : i32
      %parallel_loop3A_144 = arith.cmpi slt, %parallel_loop3A_140, %parallel_loop3A_143 : i32
      %parallel_loop3A_145 = arith.constant 0 : i32
      %parallel_loop3A_146 = arith.cmpi slt, %parallel_loop3A_139, %parallel_loop3A_145 : i32
      %parallel_loop3A_147 = arith.xori %parallel_loop3A_144, %parallel_loop3A_146 : i1
      %parallel_loop3A_148 = arith.andi %parallel_loop3A_147, %parallel_loop3A_142 : i1
      %parallel_loop3A_149 = arith.addi %parallel_loop3A_140, %parallel_loop3A_139 : i32
      %parallel_loop3A_150 = arith.select %parallel_loop3A_148, %parallel_loop3A_149, %parallel_loop3A_140 : i32
      %parallel_loop3A_151 = arith.constant 128 : i32
      %parallel_loop3A_152 = arith.muli %parallel_loop3A_150, %parallel_loop3A_151 : i32
      %parallel_loop3A_153 = arith.constant 0 : i32
      %parallel_loop3A_154 = arith.addi %parallel_loop3A_152, %parallel_loop3A_153 : i32
      %parallel_loop3A_155 = arith.index_cast %parallel_loop3A_134 : i32 to index
      %parallel_loop3A_156 = arith.index_cast %parallel_loop3A_154 : i32 to index
      %parallel_loop3A_157 = tpu.vector_load %arg6[%parallel_loop3A_155, %parallel_loop3A_156] {strides = array<i32>} : memref<25x1024xi32, #tpu.memory_space<vmem>>, vector<16xi32>,
      %parallel_loop3A_158 = arith.constant 0 : i32
      %parallel_loop3A_159 = vector.broadcast %parallel_loop3A_158 : i32 to vector<16xi32>
      %parallel_loop3A_160 = arith.cmpi slt, %parallel_loop3A_157, %parallel_loop3A_159 : vector<16xi32>
      %parallel_loop3A_161 = arith.constant 16 : i32
      %parallel_loop3A_162 = vector.broadcast %parallel_loop3A_161 : i32 to vector<16xi32>
      %parallel_loop3A_163 = arith.addi %parallel_loop3A_157, %parallel_loop3A_162 : vector<16xi32>
      %parallel_loop3A_164 = arith.select %parallel_loop3A_160, %parallel_loop3A_163, %parallel_loop3A_157 : vector<16xi1>, vector<16xi32>
      %parallel_loop3A_165 = vector.shape_cast %parallel_loop3A_164 : vector<16xi32> to vector<16x1xi32>
      %parallel_loop3A_166 = vector.shape_cast %parallel_loop3A_165 : vector<16x1xi32> to vector<16xi32>
      %parallel_loop3A_167 = tpu.dynamic_gather %get3A_31[%parallel_loop3A_166] in [0] : vector<16xf32>, vector<16xi32> -> vector<16xf32>
      %parallel_loop3A_168 = arith.index_cast %parallel_loop3A_110 : i32 to index
      %parallel_loop3A_169 = arith.constant 0 : index
      %parallel_loop3A_170 = tpu.vector_load %arg7[%parallel_loop3A_168, %parallel_loop3A_169] {strides = array<i32>} : memref<200x512xf32, #tpu.memory_space<vmem>>, vector<16xf32>,
      tpu.vector_store %arg7[%parallel_loop3A_168, %parallel_loop3A_169], %parallel_loop3A_167 {strides = array<i32>} : memref<200x512xf32, #tpu.memory_space<vmem>>, vector<16xf32>,
      %parallel_loop3A_171 = arith.constant 0 : i32
      %parallel_loop3A_172 = vector.broadcast %parallel_loop3A_171 : i32 to vector<16xi32>
      %parallel_loop3A_173 = arith.cmpi slt, %parallel_loop3A_157, %parallel_loop3A_172 : vector<16xi32>
      %parallel_loop3A_174 = arith.constant 16 : i32
      %parallel_loop3A_175 = vector.broadcast %parallel_loop3A_174 : i32 to vector<16xi32>
      %parallel_loop3A_176 = arith.addi %parallel_loop3A_157, %parallel_loop3A_175 : vector<16xi32>
      %parallel_loop3A_177 = arith.select %parallel_loop3A_173, %parallel_loop3A_176, %parallel_loop3A_157 : vector<16xi1>, vector<16xi32>
      %parallel_loop3A_178 = vector.shape_cast %parallel_loop3A_177 : vector<16xi32> to vector<16x1xi32>
      %parallel_loop3A_179 = vector.shape_cast %parallel_loop3A_178 : vector<16x1xi32> to vector<16xi32>
      %parallel_loop3A_180 = tpu.dynamic_gather %gather3A_39[%parallel_loop3A_179] in [0] : vector<16xf32>, vector<16xi32> -> vector<16xf32>
      %parallel_loop3A_181 = arith.index_cast %parallel_loop3A_110 : i32 to index
      %parallel_loop3A_182 = arith.constant 128 : index
      %parallel_loop3A_183 = tpu.vector_load %arg7[%parallel_loop3A_181, %parallel_loop3A_182] {strides = array<i32>} : memref<200x512xf32, #tpu.memory_space<vmem>>, vector<16xf32>,
      tpu.vector_store %arg7[%parallel_loop3A_181, %parallel_loop3A_182], %parallel_loop3A_180 {strides = array<i32>} : memref<200x512xf32, #tpu.memory_space<vmem>>, vector<16xf32>,
      %parallel_loop3A_184 = arith.constant 0 : i32
      %parallel_loop3A_185 = vector.broadcast %parallel_loop3A_184 : i32 to vector<16xi32>
      %parallel_loop3A_186 = arith.cmpi slt, %parallel_loop3A_157, %parallel_loop3A_185 : vector<16xi32>
      %parallel_loop3A_187 = arith.constant 16 : i32
      %parallel_loop3A_188 = vector.broadcast %parallel_loop3A_187 : i32 to vector<16xi32>
      %parallel_loop3A_189 = arith.addi %parallel_loop3A_157, %parallel_loop3A_188 : vector<16xi32>
      %parallel_loop3A_190 = arith.select %parallel_loop3A_186, %parallel_loop3A_189, %parallel_loop3A_157 : vector<16xi1>, vector<16xi32>
      %parallel_loop3A_191 = vector.shape_cast %parallel_loop3A_190 : vector<16xi32> to vector<16x1xi32>
      %parallel_loop3A_192 = vector.shape_cast %parallel_loop3A_191 : vector<16x1xi32> to vector<16xi32>
      %parallel_loop3A_193 = tpu.dynamic_gather %get3A_33[%parallel_loop3A_192] in [0] : vector<16xf32>, vector<16xi32> -> vector<16xf32>
      %parallel_loop3A_194 = arith.index_cast %parallel_loop3A_110 : i32 to index
      %parallel_loop3A_195 = arith.constant 256 : index
      %parallel_loop3A_196 = tpu.vector_load %arg7[%parallel_loop3A_194, %parallel_loop3A_195] {strides = array<i32>} : memref<200x512xf32, #tpu.memory_space<vmem>>, vector<16xf32>,
      tpu.vector_store %arg7[%parallel_loop3A_194, %parallel_loop3A_195], %parallel_loop3A_193 {strides = array<i32>} : memref<200x512xf32, #tpu.memory_space<vmem>>, vector<16xf32>,
      %parallel_loop3A_197 = arith.constant 0 : i32
      %parallel_loop3A_198 = vector.broadcast %parallel_loop3A_197 : i32 to vector<16xi32>
      %parallel_loop3A_199 = arith.cmpi slt, %parallel_loop3A_157, %parallel_loop3A_198 : vector<16xi32>
      %parallel_loop3A_200 = arith.constant 16 : i32
      %parallel_loop3A_201 = vector.broadcast %parallel_loop3A_200 : i32 to vector<16xi32>
      %parallel_loop3A_202 = arith.addi %parallel_loop3A_157, %parallel_loop3A_201 : vector<16xi32>
      %parallel_loop3A_203 = arith.select %parallel_loop3A_199, %parallel_loop3A_202, %parallel_loop3A_157 : vector<16xi1>, vector<16xi32>
      %parallel_loop3A_204 = vector.shape_cast %parallel_loop3A_203 : vector<16xi32> to vector<16x1xi32>
      %parallel_loop3A_205 = vector.shape_cast %parallel_loop3A_204 : vector<16x1xi32> to vector<16xi32>
      %parallel_loop3A_206 = tpu.dynamic_gather %gather3A_49[%parallel_loop3A_205] in [0] : vector<16xf32>, vector<16xi32> -> vector<16xf32>
      %parallel_loop3A_207 = arith.index_cast %parallel_loop3A_110 : i32 to index
      %parallel_loop3A_208 = arith.constant 384 : index
      %parallel_loop3A_209 = tpu.vector_load %arg7[%parallel_loop3A_207, %parallel_loop3A_208] {strides = array<i32>} : memref<200x512xf32, #tpu.memory_space<vmem>>, vector<16xf32>,
      tpu.vector_store %arg7[%parallel_loop3A_207, %parallel_loop3A_208], %parallel_loop3A_206 {strides = array<i32>} : memref<200x512xf32, #tpu.memory_space<vmem>>, vector<16xf32>,
      %parallel_loop3A_210 = arith.constant 16 : i32
      %parallel_loop3A_211 = arith.addi %parallel_loop3A_152, %parallel_loop3A_210 : i32
      %parallel_loop3A_212 = arith.index_cast %parallel_loop3A_134 : i32 to index
      %parallel_loop3A_213 = arith.index_cast %parallel_loop3A_211 : i32 to index
      %parallel_loop3A_214 = tpu.vector_load %arg6[%parallel_loop3A_212, %parallel_loop3A_213] {strides = array<i32>} : memref<25x1024xi32, #tpu.memory_space<vmem>>, vector<16xi32>,
      %parallel_loop3A_215 = arith.constant 0 : i32
      %parallel_loop3A_216 = vector.broadcast %parallel_loop3A_215 : i32 to vector<16xi32>
      %parallel_loop3A_217 = arith.cmpi slt, %parallel_loop3A_214, %parallel_loop3A_216 : vector<16xi32>
      %parallel_loop3A_218 = arith.constant 16 : i32
      %parallel_loop3A_219 = vector.broadcast %parallel_loop3A_218 : i32 to vector<16xi32>
      %parallel_loop3A_220 = arith.addi %parallel_loop3A_214, %parallel_loop3A_219 : vector<16xi32>
      %parallel_loop3A_221 = arith.select %parallel_loop3A_217, %parallel_loop3A_220, %parallel_loop3A_214 : vector<16xi1>, vector<16xi32>
      %parallel_loop3A_222 = vector.shape_cast %parallel_loop3A_221 : vector<16xi32> to vector<16x1xi32>
      %parallel_loop3A_223 = vector.shape_cast %parallel_loop3A_222 : vector<16x1xi32> to vector<16xi32>
      %parallel_loop3A_224 = tpu.dynamic_gather %get3A_31[%parallel_loop3A_223] in [0] : vector<16xf32>, vector<16xi32> -> vector<16xf32>
      %parallel_loop3A_225 = arith.index_cast %parallel_loop3A_110 : i32 to index
      %parallel_loop3A_226 = arith.constant 16 : index
      %parallel_loop3A_227 = tpu.vector_load %arg7[%parallel_loop3A_225, %parallel_loop3A_226] {strides = array<i32>} : memref<200x512xf32, #tpu.memory_space<vmem>>, vector<16xf32>,
      tpu.vector_store %arg7[%parallel_loop3A_225, %parallel_loop3A_226], %parallel_loop3A_224 {strides = array<i32>} : memref<200x512xf32, #tpu.memory_space<vmem>>, vector<16xf32>,
      %parallel_loop3A_228 = arith.constant 0 : i32
      %parallel_loop3A_229 = vector.broadcast %parallel_loop3A_228 : i32 to vector<16xi32>
      %parallel_loop3A_230 = arith.cmpi slt, %parallel_loop3A_214, %parallel_loop3A_229 : vector<16xi32>
      %parallel_loop3A_231 = arith.constant 16 : i32
      %parallel_loop3A_232 = vector.broadcast %parallel_loop3A_231 : i32 to vector<16xi32>
      %parallel_loop3A_233 = arith.addi %parallel_loop3A_214, %parallel_loop3A_232 : vector<16xi32>
      %parallel_loop3A_234 = arith.select %parallel_loop3A_230, %parallel_loop3A_233, %parallel_loop3A_214 : vector<16xi1>, vector<16xi32>
      %parallel_loop3A_235 = vector.shape_cast %parallel_loop3A_234 : vector<16xi32> to vector<16x1xi32>
      %parallel_loop3A_236 = vector.shape_cast %parallel_loop3A_235 : vector<16x1xi32> to vector<16xi32>
      %parallel_loop3A_237 = tpu.dynamic_gather %gather3A_39[%parallel_loop3A_236] in [0] : vector<16xf32>, vector<16xi32> -> vector<16xf32>
      %parallel_loop3A_238 = arith.index_cast %parallel_loop3A_110 : i32 to index
      %parallel_loop3A_239 = arith.constant 144 : index
      %parallel_loop3A_240 = tpu.vector_load %arg7[%parallel_loop3A_238, %parallel_loop3A_239] {strides = array<i32>} : memref<200x512xf32, #tpu.memory_space<vmem>>, vector<16xf32>,
      tpu.vector_store %arg7[%parallel_loop3A_238, %parallel_loop3A_239], %parallel_loop3A_237 {strides = array<i32>} : memref<200x512xf32, #tpu.memory_space<vmem>>, vector<16xf32>,
      %parallel_loop3A_241 = arith.constant 0 : i32
      %parallel_loop3A_242 = vector.broadcast %parallel_loop3A_241 : i32 to vector<16xi32>
      %parallel_loop3A_243 = arith.cmpi slt, %parallel_loop3A_214, %parallel_loop3A_242 : vector<16xi32>
      %parallel_loop3A_244 = arith.constant 16 : i32
      %parallel_loop3A_245 = vector.broadcast %parallel_loop3A_244 : i32 to vector<16xi32>
      %parallel_loop3A_246 = arith.addi %parallel_loop3A_214, %parallel_loop3A_245 : vector<16xi32>
      %parallel_loop3A_247 = arith.select %parallel_loop3A_243, %parallel_loop3A_246, %parallel_loop3A_214 : vector<16xi1>, vector<16xi32>
      %parallel_loop3A_248 = vector.shape_cast %parallel_loop3A_247 : vector<16xi32> to vector<16x1xi32>
      %parallel_loop3A_249 = vector.shape_cast %parallel_loop3A_248 : vector<16x1xi32> to vector<16xi32>
      %parallel_loop3A_250 = tpu.dynamic_gather %get3A_33[%parallel_loop3A_249] in [0] : vector<16xf32>, vector<16xi32> -> vector<16xf32>
      %parallel_loop3A_251 = arith.index_cast %parallel_loop3A_110 : i32 to index
      %parallel_loop3A_252 = arith.constant 272 : index
      %parallel_loop3A_253 = tpu.vector_load %arg7[%parallel_loop3A_251, %parallel_loop3A_252] {strides = array<i32>} : memref<200x512xf32, #tpu.memory_space<vmem>>, vector<16xf32>,
      tpu.vector_store %arg7[%parallel_loop3A_251, %parallel_loop3A_252], %parallel_loop3A_250 {strides = array<i32>} : memref<200x512xf32, #tpu.memory_space<vmem>>, vector<16xf32>,
      %parallel_loop3A_254 = arith.constant 0 : i32
      %parallel_loop3A_255 = vector.broadcast %parallel_loop3A_254 : i32 to vector<16xi32>
      %parallel_loop3A_256 = arith.cmpi slt, %parallel_loop3A_214, %parallel_loop3A_255 : vector<16xi32>
      %parallel_loop3A_257 = arith.constant 16 : i32
      %parallel_loop3A_258 = vector.broadcast %parallel_loop3A_257 : i32 to vector<16xi32>
      %parallel_loop3A_259 = arith.addi %parallel_loop3A_214, %parallel_loop3A_258 : vector<16xi32>
      %parallel_loop3A_260 = arith.select %parallel_loop3A_256, %parallel_loop3A_259, %parallel_loop3A_214 : vector<16xi1>, vector<16xi32>
      %parallel_loop3A_261 = vector.shape_cast %parallel_loop3A_260 : vector<16xi32> to vector<16x1xi32>
      %parallel_loop3A_262 = vector.shape_cast %parallel_loop3A_261 : vector<16x1xi32> to vector<16xi32>
      %parallel_loop3A_263 = tpu.dynamic_gather %gather3A_49[%parallel_loop3A_262] in [0] : vector<16xf32>, vector<16xi32> -> vector<16xf32>
      %parallel_loop3A_264 = arith.index_cast %parallel_loop3A_110 : i32 to index
      %parallel_loop3A_265 = arith.constant 400 : index
      %parallel_loop3A_266 = tpu.vector_load %arg7[%parallel_loop3A_264, %parallel_loop3A_265] {strides = array<i32>} : memref<200x512xf32, #tpu.memory_space<vmem>>, vector<16xf32>,
      tpu.vector_store %arg7[%parallel_loop3A_264, %parallel_loop3A_265], %parallel_loop3A_263 {strides = array<i32>} : memref<200x512xf32, #tpu.memory_space<vmem>>, vector<16xf32>,
      %parallel_loop3A_267 = arith.constant 32 : i32
      %parallel_loop3A_268 = arith.addi %parallel_loop3A_152, %parallel_loop3A_267 : i32
      %parallel_loop3A_269 = arith.index_cast %parallel_loop3A_134 : i32 to index
      %parallel_loop3A_270 = arith.index_cast %parallel_loop3A_268 : i32 to index
      %parallel_loop3A_271 = tpu.vector_load %arg6[%parallel_loop3A_269, %parallel_loop3A_270] {strides = array<i32>} : memref<25x1024xi32, #tpu.memory_space<vmem>>, vector<16xi32>,
      %parallel_loop3A_272 = arith.constant 0 : i32
      %parallel_loop3A_273 = vector.broadcast %parallel_loop3A_272 : i32 to vector<16xi32>
      %parallel_loop3A_274 = arith.cmpi slt, %parallel_loop3A_271, %parallel_loop3A_273 : vector<16xi32>
      %parallel_loop3A_275 = arith.constant 16 : i32
      %parallel_loop3A_276 = vector.broadcast %parallel_loop3A_275 : i32 to vector<16xi32>
      %parallel_loop3A_277 = arith.addi %parallel_loop3A_271, %parallel_loop3A_276 : vector<16xi32>
      %parallel_loop3A_278 = arith.select %parallel_loop3A_274, %parallel_loop3A_277, %parallel_loop3A_271 : vector<16xi1>, vector<16xi32>
      %parallel_loop3A_279 = vector.shape_cast %parallel_loop3A_278 : vector<16xi32> to vector<16x1xi32>
      %parallel_loop3A_280 = vector.shape_cast %parallel_loop3A_279 : vector<16x1xi32> to vector<16xi32>
      %parallel_loop3A_281 = tpu.dynamic_gather %get3A_31[%parallel_loop3A_280] in [0] : vector<16xf32>, vector<16xi32> -> vector<16xf32>
      %parallel_loop3A_282 = arith.index_cast %parallel_loop3A_110 : i32 to index
      %parallel_loop3A_283 = arith.constant 32 : index
      %parallel_loop3A_284 = tpu.vector_load %arg7[%parallel_loop3A_282, %parallel_loop3A_283] {strides = array<i32>} : memref<200x512xf32, #tpu.memory_space<vmem>>, vector<16xf32>,
      tpu.vector_store %arg7[%parallel_loop3A_282, %parallel_loop3A_283], %parallel_loop3A_281 {strides = array<i32>} : memref<200x512xf32, #tpu.memory_space<vmem>>, vector<16xf32>,
      %parallel_loop3A_285 = arith.constant 0 : i32
      %parallel_loop3A_286 = vector.broadcast %parallel_loop3A_285 : i32 to vector<16xi32>
      %parallel_loop3A_287 = arith.cmpi slt, %parallel_loop3A_271, %parallel_loop3A_286 : vector<16xi32>
      %parallel_loop3A_288 = arith.constant 16 : i32
      %parallel_loop3A_289 = vector.broadcast %parallel_loop3A_288 : i32 to vector<16xi32>
      %parallel_loop3A_290 = arith.addi %parallel_loop3A_271, %parallel_loop3A_289 : vector<16xi32>
      %parallel_loop3A_291 = arith.select %parallel_loop3A_287, %parallel_loop3A_290, %parallel_loop3A_271 : vector<16xi1>, vector<16xi32>
      %parallel_loop3A_292 = vector.shape_cast %parallel_loop3A_291 : vector<16xi32> to vector<16x1xi32>
      %parallel_loop3A_293 = vector.shape_cast %parallel_loop3A_292 : vector<16x1xi32> to vector<16xi32>
      %parallel_loop3A_294 = tpu.dynamic_gather %gather3A_39[%parallel_loop3A_293] in [0] : vector<16xf32>, vector<16xi32> -> vector<16xf32>
      %parallel_loop3A_295 = arith.index_cast %parallel_loop3A_110 : i32 to index
      %parallel_loop3A_296 = arith.constant 160 : index
      %parallel_loop3A_297 = tpu.vector_load %arg7[%parallel_loop3A_295, %parallel_loop3A_296] {strides = array<i32>} : memref<200x512xf32, #tpu.memory_space<vmem>>, vector<16xf32>,
      tpu.vector_store %arg7[%parallel_loop3A_295, %parallel_loop3A_296], %parallel_loop3A_294 {strides = array<i32>} : memref<200x512xf32, #tpu.memory_space<vmem>>, vector<16xf32>,
      %parallel_loop3A_298 = arith.constant 0 : i32
      %parallel_loop3A_299 = vector.broadcast %parallel_loop3A_298 : i32 to vector<16xi32>
      %parallel_loop3A_300 = arith.cmpi slt, %parallel_loop3A_271, %parallel_loop3A_299 : vector<16xi32>
      %parallel_loop3A_301 = arith.constant 16 : i32
      %parallel_loop3A_302 = vector.broadcast %parallel_loop3A_301 : i32 to vector<16xi32>
      %parallel_loop3A_303 = arith.addi %parallel_loop3A_271, %parallel_loop3A_302 : vector<16xi32>
      %parallel_loop3A_304 = arith.select %parallel_loop3A_300, %parallel_loop3A_303, %parallel_loop3A_271 : vector<16xi1>, vector<16xi32>
      %parallel_loop3A_305 = vector.shape_cast %parallel_loop3A_304 : vector<16xi32> to vector<16x1xi32>
      %parallel_loop3A_306 = vector.shape_cast %parallel_loop3A_305 : vector<16x1xi32> to vector<16xi32>
      %parallel_loop3A_307 = tpu.dynamic_gather %get3A_33[%parallel_loop3A_306] in [0] : vector<16xf32>, vector<16xi32> -> vector<16xf32>
      %parallel_loop3A_308 = arith.index_cast %parallel_loop3A_110 : i32 to index
      %parallel_loop3A_309 = arith.constant 288 : index
      %parallel_loop3A_310 = tpu.vector_load %arg7[%parallel_loop3A_308, %parallel_loop3A_309] {strides = array<i32>} : memref<200x512xf32, #tpu.memory_space<vmem>>, vector<16xf32>,
      tpu.vector_store %arg7[%parallel_loop3A_308, %parallel_loop3A_309], %parallel_loop3A_307 {strides = array<i32>} : memref<200x512xf32, #tpu.memory_space<vmem>>, vector<16xf32>,
      %parallel_loop3A_311 = arith.constant 0 : i32
      %parallel_loop3A_312 = vector.broadcast %parallel_loop3A_311 : i32 to vector<16xi32>
      %parallel_loop3A_313 = arith.cmpi slt, %parallel_loop3A_271, %parallel_loop3A_312 : vector<16xi32>
      %parallel_loop3A_314 = arith.constant 16 : i32
      %parallel_loop3A_315 = vector.broadcast %parallel_loop3A_314 : i32 to vector<16xi32>
      %parallel_loop3A_316 = arith.addi %parallel_loop3A_271, %parallel_loop3A_315 : vector<16xi32>
      %parallel_loop3A_317 = arith.select %parallel_loop3A_313, %parallel_loop3A_316, %parallel_loop3A_271 : vector<16xi1>, vector<16xi32>
      %parallel_loop3A_318 = vector.shape_cast %parallel_loop3A_317 : vector<16xi32> to vector<16x1xi32>
      %parallel_loop3A_319 = vector.shape_cast %parallel_loop3A_318 : vector<16x1xi32> to vector<16xi32>
      %parallel_loop3A_320 = tpu.dynamic_gather %gather3A_49[%parallel_loop3A_319] in [0] : vector<16xf32>, vector<16xi32> -> vector<16xf32>
      %parallel_loop3A_321 = arith.index_cast %parallel_loop3A_110 : i32 to index
      %parallel_loop3A_322 = arith.constant 416 : index
      %parallel_loop3A_323 = tpu.vector_load %arg7[%parallel_loop3A_321, %parallel_loop3A_322] {strides = array<i32>} : memref<200x512xf32, #tpu.memory_space<vmem>>, vector<16xf32>,
      tpu.vector_store %arg7[%parallel_loop3A_321, %parallel_loop3A_322], %parallel_loop3A_320 {strides = array<i32>} : memref<200x512xf32, #tpu.memory_space<vmem>>, vector<16xf32>,
      %parallel_loop3A_324 = arith.constant 48 : i32
      %parallel_loop3A_325 = arith.addi %parallel_loop3A_152, %parallel_loop3A_324 : i32
      %parallel_loop3A_326 = arith.index_cast %parallel_loop3A_134 : i32 to index
      %parallel_loop3A_327 = arith.index_cast %parallel_loop3A_325 : i32 to index
      %parallel_loop3A_328 = tpu.vector_load %arg6[%parallel_loop3A_326, %parallel_loop3A_327] {strides = array<i32>} : memref<25x1024xi32, #tpu.memory_space<vmem>>, vector<16xi32>,
      %parallel_loop3A_329 = arith.constant 0 : i32
      %parallel_loop3A_330 = vector.broadcast %parallel_loop3A_329 : i32 to vector<16xi32>
      %parallel_loop3A_331 = arith.cmpi slt, %parallel_loop3A_328, %parallel_loop3A_330 : vector<16xi32>
      %parallel_loop3A_332 = arith.constant 16 : i32
      %parallel_loop3A_333 = vector.broadcast %parallel_loop3A_332 : i32 to vector<16xi32>
      %parallel_loop3A_334 = arith.addi %parallel_loop3A_328, %parallel_loop3A_333 : vector<16xi32>
      %parallel_loop3A_335 = arith.select %parallel_loop3A_331, %parallel_loop3A_334, %parallel_loop3A_328 : vector<16xi1>, vector<16xi32>
      %parallel_loop3A_336 = vector.shape_cast %parallel_loop3A_335 : vector<16xi32> to vector<16x1xi32>
      %parallel_loop3A_337 = vector.shape_cast %parallel_loop3A_336 : vector<16x1xi32> to vector<16xi32>
      %parallel_loop3A_338 = tpu.dynamic_gather %get3A_31[%parallel_loop3A_337] in [0] : vector<16xf32>, vector<16xi32> -> vector<16xf32>
      %parallel_loop3A_339 = arith.index_cast %parallel_loop3A_110 : i32 to index
      %parallel_loop3A_340 = arith.constant 48 : index
      %parallel_loop3A_341 = tpu.vector_load %arg7[%parallel_loop3A_339, %parallel_loop3A_340] {strides = array<i32>} : memref<200x512xf32, #tpu.memory_space<vmem>>, vector<16xf32>,
      tpu.vector_store %arg7[%parallel_loop3A_339, %parallel_loop3A_340], %parallel_loop3A_338 {strides = array<i32>} : memref<200x512xf32, #tpu.memory_space<vmem>>, vector<16xf32>,
      %parallel_loop3A_342 = arith.constant 0 : i32
      %parallel_loop3A_343 = vector.broadcast %parallel_loop3A_342 : i32 to vector<16xi32>
      %parallel_loop3A_344 = arith.cmpi slt, %parallel_loop3A_328, %parallel_loop3A_343 : vector<16xi32>
      %parallel_loop3A_345 = arith.constant 16 : i32
      %parallel_loop3A_346 = vector.broadcast %parallel_loop3A_345 : i32 to vector<16xi32>
      %parallel_loop3A_347 = arith.addi %parallel_loop3A_328, %parallel_loop3A_346 : vector<16xi32>
      %parallel_loop3A_348 = arith.select %parallel_loop3A_344, %parallel_loop3A_347, %parallel_loop3A_328 : vector<16xi1>, vector<16xi32>
      %parallel_loop3A_349 = vector.shape_cast %parallel_loop3A_348 : vector<16xi32> to vector<16x1xi32>
      %parallel_loop3A_350 = vector.shape_cast %parallel_loop3A_349 : vector<16x1xi32> to vector<16xi32>
      %parallel_loop3A_351 = tpu.dynamic_gather %gather3A_39[%parallel_loop3A_350] in [0] : vector<16xf32>, vector<16xi32> -> vector<16xf32>
      %parallel_loop3A_352 = arith.index_cast %parallel_loop3A_110 : i32 to index
      %parallel_loop3A_353 = arith.constant 176 : index
      %parallel_loop3A_354 = tpu.vector_load %arg7[%parallel_loop3A_352, %parallel_loop3A_353] {strides = array<i32>} : memref<200x512xf32, #tpu.memory_space<vmem>>, vector<16xf32>,
      tpu.vector_store %arg7[%parallel_loop3A_352, %parallel_loop3A_353], %parallel_loop3A_351 {strides = array<i32>} : memref<200x512xf32, #tpu.memory_space<vmem>>, vector<16xf32>,
      %parallel_loop3A_355 = arith.constant 0 : i32
      %parallel_loop3A_356 = vector.broadcast %parallel_loop3A_355 : i32 to vector<16xi32>
      %parallel_loop3A_357 = arith.cmpi slt, %parallel_loop3A_328, %parallel_loop3A_356 : vector<16xi32>
      %parallel_loop3A_358 = arith.constant 16 : i32
      %parallel_loop3A_359 = vector.broadcast %parallel_loop3A_358 : i32 to vector<16xi32>
      %parallel_loop3A_360 = arith.addi %parallel_loop3A_328, %parallel_loop3A_359 : vector<16xi32>
      %parallel_loop3A_361 = arith.select %parallel_loop3A_357, %parallel_loop3A_360, %parallel_loop3A_328 : vector<16xi1>, vector<16xi32>
      %parallel_loop3A_362 = vector.shape_cast %parallel_loop3A_361 : vector<16xi32> to vector<16x1xi32>
      %parallel_loop3A_363 = vector.shape_cast %parallel_loop3A_362 : vector<16x1xi32> to vector<16xi32>
      %parallel_loop3A_364 = tpu.dynamic_gather %get3A_33[%parallel_loop3A_363] in [0] : vector<16xf32>, vector<16xi32> -> vector<16xf32>
      %parallel_loop3A_365 = arith.index_cast %parallel_loop3A_110 : i32 to index
      %parallel_loop3A_366 = arith.constant 304 : index
      %parallel_loop3A_367 = tpu.vector_load %arg7[%parallel_loop3A_365, %parallel_loop3A_366] {strides = array<i32>} : memref<200x512xf32, #tpu.memory_space<vmem>>, vector<16xf32>,
      tpu.vector_store %arg7[%parallel_loop3A_365, %parallel_loop3A_366], %parallel_loop3A_364 {strides = array<i32>} : memref<200x512xf32, #tpu.memory_space<vmem>>, vector<16xf32>,
      %parallel_loop3A_368 = arith.constant 0 : i32
      %parallel_loop3A_369 = vector.broadcast %parallel_loop3A_368 : i32 to vector<16xi32>
      %parallel_loop3A_370 = arith.cmpi slt, %parallel_loop3A_328, %parallel_loop3A_369 : vector<16xi32>
      %parallel_loop3A_371 = arith.constant 16 : i32
      %parallel_loop3A_372 = vector.broadcast %parallel_loop3A_371 : i32 to vector<16xi32>
      %parallel_loop3A_373 = arith.addi %parallel_loop3A_328, %parallel_loop3A_372 : vector<16xi32>
      %parallel_loop3A_374 = arith.select %parallel_loop3A_370, %parallel_loop3A_373, %parallel_loop3A_328 : vector<16xi1>, vector<16xi32>
      %parallel_loop3A_375 = vector.shape_cast %parallel_loop3A_374 : vector<16xi32> to vector<16x1xi32>
      %parallel_loop3A_376 = vector.shape_cast %parallel_loop3A_375 : vector<16x1xi32> to vector<16xi32>
      %parallel_loop3A_377 = tpu.dynamic_gather %gather3A_49[%parallel_loop3A_376] in [0] : vector<16xf32>, vector<16xi32> -> vector<16xf32>
      %parallel_loop3A_378 = arith.index_cast %parallel_loop3A_110 : i32 to index
      %parallel_loop3A_379 = arith.constant 432 : index
      %parallel_loop3A_380 = tpu.vector_load %arg7[%parallel_loop3A_378, %parallel_loop3A_379] {strides = array<i32>} : memref<200x512xf32, #tpu.memory_space<vmem>>, vector<16xf32>,
      tpu.vector_store %arg7[%parallel_loop3A_378, %parallel_loop3A_379], %parallel_loop3A_377 {strides = array<i32>} : memref<200x512xf32, #tpu.memory_space<vmem>>, vector<16xf32>,
      %parallel_loop3A_381 = arith.constant 64 : i32
      %parallel_loop3A_382 = arith.addi %parallel_loop3A_152, %parallel_loop3A_381 : i32
      %parallel_loop3A_383 = arith.index_cast %parallel_loop3A_134 : i32 to index
      %parallel_loop3A_384 = arith.index_cast %parallel_loop3A_382 : i32 to index
      %parallel_loop3A_385 = tpu.vector_load %arg6[%parallel_loop3A_383, %parallel_loop3A_384] {strides = array<i32>} : memref<25x1024xi32, #tpu.memory_space<vmem>>, vector<16xi32>,
      %parallel_loop3A_386 = arith.constant 0 : i32
      %parallel_loop3A_387 = vector.broadcast %parallel_loop3A_386 : i32 to vector<16xi32>
      %parallel_loop3A_388 = arith.cmpi slt, %parallel_loop3A_385, %parallel_loop3A_387 : vector<16xi32>
      %parallel_loop3A_389 = arith.constant 16 : i32
      %parallel_loop3A_390 = vector.broadcast %parallel_loop3A_389 : i32 to vector<16xi32>
      %parallel_loop3A_391 = arith.addi %parallel_loop3A_385, %parallel_loop3A_390 : vector<16xi32>
      %parallel_loop3A_392 = arith.select %parallel_loop3A_388, %parallel_loop3A_391, %parallel_loop3A_385 : vector<16xi1>, vector<16xi32>
      %parallel_loop3A_393 = vector.shape_cast %parallel_loop3A_392 : vector<16xi32> to vector<16x1xi32>
      %parallel_loop3A_394 = vector.shape_cast %parallel_loop3A_393 : vector<16x1xi32> to vector<16xi32>
      %parallel_loop3A_395 = tpu.dynamic_gather %get3A_31[%parallel_loop3A_394] in [0] : vector<16xf32>, vector<16xi32> -> vector<16xf32>
      %parallel_loop3A_396 = arith.index_cast %parallel_loop3A_110 : i32 to index
      %parallel_loop3A_397 = arith.constant 64 : index
      %parallel_loop3A_398 = tpu.vector_load %arg7[%parallel_loop3A_396, %parallel_loop3A_397] {strides = array<i32>} : memref<200x512xf32, #tpu.memory_space<vmem>>, vector<16xf32>,
      tpu.vector_store %arg7[%parallel_loop3A_396, %parallel_loop3A_397], %parallel_loop3A_395 {strides = array<i32>} : memref<200x512xf32, #tpu.memory_space<vmem>>, vector<16xf32>,
      %parallel_loop3A_399 = arith.constant 0 : i32
      %parallel_loop3A_400 = vector.broadcast %parallel_loop3A_399 : i32 to vector<16xi32>
      %parallel_loop3A_401 = arith.cmpi slt, %parallel_loop3A_385, %parallel_loop3A_400 : vector<16xi32>
      %parallel_loop3A_402 = arith.constant 16 : i32
      %parallel_loop3A_403 = vector.broadcast %parallel_loop3A_402 : i32 to vector<16xi32>
      %parallel_loop3A_404 = arith.addi %parallel_loop3A_385, %parallel_loop3A_403 : vector<16xi32>
      %parallel_loop3A_405 = arith.select %parallel_loop3A_401, %parallel_loop3A_404, %parallel_loop3A_385 : vector<16xi1>, vector<16xi32>
      %parallel_loop3A_406 = vector.shape_cast %parallel_loop3A_405 : vector<16xi32> to vector<16x1xi32>
      %parallel_loop3A_407 = vector.shape_cast %parallel_loop3A_406 : vector<16x1xi32> to vector<16xi32>
      %parallel_loop3A_408 = tpu.dynamic_gather %gather3A_39[%parallel_loop3A_407] in [0] : vector<16xf32>, vector<16xi32> -> vector<16xf32>
      %parallel_loop3A_409 = arith.index_cast %parallel_loop3A_110 : i32 to index
      %parallel_loop3A_410 = arith.constant 192 : index
      %parallel_loop3A_411 = tpu.vector_load %arg7[%parallel_loop3A_409, %parallel_loop3A_410] {strides = array<i32>} : memref<200x512xf32, #tpu.memory_space<vmem>>, vector<16xf32>,
      tpu.vector_store %arg7[%parallel_loop3A_409, %parallel_loop3A_410], %parallel_loop3A_408 {strides = array<i32>} : memref<200x512xf32, #tpu.memory_space<vmem>>, vector<16xf32>,
      %parallel_loop3A_412 = arith.constant 0 : i32
      %parallel_loop3A_413 = vector.broadcast %parallel_loop3A_412 : i32 to vector<16xi32>
      %parallel_loop3A_414 = arith.cmpi slt, %parallel_loop3A_385, %parallel_loop3A_413 : vector<16xi32>
      %parallel_loop3A_415 = arith.constant 16 : i32
      %parallel_loop3A_416 = vector.broadcast %parallel_loop3A_415 : i32 to vector<16xi32>
      %parallel_loop3A_417 = arith.addi %parallel_loop3A_385, %parallel_loop3A_416 : vector<16xi32>
      %parallel_loop3A_418 = arith.select %parallel_loop3A_414, %parallel_loop3A_417, %parallel_loop3A_385 : vector<16xi1>, vector<16xi32>
      %parallel_loop3A_419 = vector.shape_cast %parallel_loop3A_418 : vector<16xi32> to vector<16x1xi32>
      %parallel_loop3A_420 = vector.shape_cast %parallel_loop3A_419 : vector<16x1xi32> to vector<16xi32>
      %parallel_loop3A_421 = tpu.dynamic_gather %get3A_33[%parallel_loop3A_420] in [0] : vector<16xf32>, vector<16xi32> -> vector<16xf32>
      %parallel_loop3A_422 = arith.index_cast %parallel_loop3A_110 : i32 to index
      %parallel_loop3A_423 = arith.constant 320 : index
      %parallel_loop3A_424 = tpu.vector_load %arg7[%parallel_loop3A_422, %parallel_loop3A_423] {strides = array<i32>} : memref<200x512xf32, #tpu.memory_space<vmem>>, vector<16xf32>,
      tpu.vector_store %arg7[%parallel_loop3A_422, %parallel_loop3A_423], %parallel_loop3A_421 {strides = array<i32>} : memref<200x512xf32, #tpu.memory_space<vmem>>, vector<16xf32>,
      %parallel_loop3A_425 = arith.constant 0 : i32
      %parallel_loop3A_426 = vector.broadcast %parallel_loop3A_425 : i32 to vector<16xi32>
      %parallel_loop3A_427 = arith.cmpi slt, %parallel_loop3A_385, %parallel_loop3A_426 : vector<16xi32>
      %parallel_loop3A_428 = arith.constant 16 : i32
      %parallel_loop3A_429 = vector.broadcast %parallel_loop3A_428 : i32 to vector<16xi32>
      %parallel_loop3A_430 = arith.addi %parallel_loop3A_385, %parallel_loop3A_429 : vector<16xi32>
      %parallel_loop3A_431 = arith.select %parallel_loop3A_427, %parallel_loop3A_430, %parallel_loop3A_385 : vector<16xi1>, vector<16xi32>
      %parallel_loop3A_432 = vector.shape_cast %parallel_loop3A_431 : vector<16xi32> to vector<16x1xi32>
      %parallel_loop3A_433 = vector.shape_cast %parallel_loop3A_432 : vector<16x1xi32> to vector<16xi32>
      %parallel_loop3A_434 = tpu.dynamic_gather %gather3A_49[%parallel_loop3A_433] in [0] : vector<16xf32>, vector<16xi32> -> vector<16xf32>
      %parallel_loop3A_435 = arith.index_cast %parallel_loop3A_110 : i32 to index
      %parallel_loop3A_436 = arith.constant 448 : index
      %parallel_loop3A_437 = tpu.vector_load %arg7[%parallel_loop3A_435, %parallel_loop3A_436] {strides = array<i32>} : memref<200x512xf32, #tpu.memory_space<vmem>>, vector<16xf32>,
      tpu.vector_store %arg7[%parallel_loop3A_435, %parallel_loop3A_436], %parallel_loop3A_434 {strides = array<i32>} : memref<200x512xf32, #tpu.memory_space<vmem>>, vector<16xf32>,
      %parallel_loop3A_438 = arith.constant 80 : i32
      %parallel_loop3A_439 = arith.addi %parallel_loop3A_152, %parallel_loop3A_438 : i32
      %parallel_loop3A_440 = arith.index_cast %parallel_loop3A_134 : i32 to index
      %parallel_loop3A_441 = arith.index_cast %parallel_loop3A_439 : i32 to index
      %parallel_loop3A_442 = tpu.vector_load %arg6[%parallel_loop3A_440, %parallel_loop3A_441] {strides = array<i32>} : memref<25x1024xi32, #tpu.memory_space<vmem>>, vector<16xi32>,
      %parallel_loop3A_443 = arith.constant 0 : i32
      %parallel_loop3A_444 = vector.broadcast %parallel_loop3A_443 : i32 to vector<16xi32>
      %parallel_loop3A_445 = arith.cmpi slt, %parallel_loop3A_442, %parallel_loop3A_444 : vector<16xi32>
      %parallel_loop3A_446 = arith.constant 16 : i32
      %parallel_loop3A_447 = vector.broadcast %parallel_loop3A_446 : i32 to vector<16xi32>
      %parallel_loop3A_448 = arith.addi %parallel_loop3A_442, %parallel_loop3A_447 : vector<16xi32>
      %parallel_loop3A_449 = arith.select %parallel_loop3A_445, %parallel_loop3A_448, %parallel_loop3A_442 : vector<16xi1>, vector<16xi32>
      %parallel_loop3A_450 = vector.shape_cast %parallel_loop3A_449 : vector<16xi32> to vector<16x1xi32>
      %parallel_loop3A_451 = vector.shape_cast %parallel_loop3A_450 : vector<16x1xi32> to vector<16xi32>
      %parallel_loop3A_452 = tpu.dynamic_gather %get3A_31[%parallel_loop3A_451] in [0] : vector<16xf32>, vector<16xi32> -> vector<16xf32>
      %parallel_loop3A_453 = arith.index_cast %parallel_loop3A_110 : i32 to index
      %parallel_loop3A_454 = arith.constant 80 : index
      %parallel_loop3A_455 = tpu.vector_load %arg7[%parallel_loop3A_453, %parallel_loop3A_454] {strides = array<i32>} : memref<200x512xf32, #tpu.memory_space<vmem>>, vector<16xf32>,
      tpu.vector_store %arg7[%parallel_loop3A_453, %parallel_loop3A_454], %parallel_loop3A_452 {strides = array<i32>} : memref<200x512xf32, #tpu.memory_space<vmem>>, vector<16xf32>,
      %parallel_loop3A_456 = arith.constant 0 : i32
      %parallel_loop3A_457 = vector.broadcast %parallel_loop3A_456 : i32 to vector<16xi32>
      %parallel_loop3A_458 = arith.cmpi slt, %parallel_loop3A_442, %parallel_loop3A_457 : vector<16xi32>
      %parallel_loop3A_459 = arith.constant 16 : i32
      %parallel_loop3A_460 = vector.broadcast %parallel_loop3A_459 : i32 to vector<16xi32>
      %parallel_loop3A_461 = arith.addi %parallel_loop3A_442, %parallel_loop3A_460 : vector<16xi32>
      %parallel_loop3A_462 = arith.select %parallel_loop3A_458, %parallel_loop3A_461, %parallel_loop3A_442 : vector<16xi1>, vector<16xi32>
      %parallel_loop3A_463 = vector.shape_cast %parallel_loop3A_462 : vector<16xi32> to vector<16x1xi32>
      %parallel_loop3A_464 = vector.shape_cast %parallel_loop3A_463 : vector<16x1xi32> to vector<16xi32>
      %parallel_loop3A_465 = tpu.dynamic_gather %gather3A_39[%parallel_loop3A_464] in [0] : vector<16xf32>, vector<16xi32> -> vector<16xf32>
      %parallel_loop3A_466 = arith.index_cast %parallel_loop3A_110 : i32 to index
      %parallel_loop3A_467 = arith.constant 208 : index
      %parallel_loop3A_468 = tpu.vector_load %arg7[%parallel_loop3A_466, %parallel_loop3A_467] {strides = array<i32>} : memref<200x512xf32, #tpu.memory_space<vmem>>, vector<16xf32>,
      tpu.vector_store %arg7[%parallel_loop3A_466, %parallel_loop3A_467], %parallel_loop3A_465 {strides = array<i32>} : memref<200x512xf32, #tpu.memory_space<vmem>>, vector<16xf32>,
      %parallel_loop3A_469 = arith.constant 0 : i32
      %parallel_loop3A_470 = vector.broadcast %parallel_loop3A_469 : i32 to vector<16xi32>
      %parallel_loop3A_471 = arith.cmpi slt, %parallel_loop3A_442, %parallel_loop3A_470 : vector<16xi32>
      %parallel_loop3A_472 = arith.constant 16 : i32
      %parallel_loop3A_473 = vector.broadcast %parallel_loop3A_472 : i32 to vector<16xi32>
      %parallel_loop3A_474 = arith.addi %parallel_loop3A_442, %parallel_loop3A_473 : vector<16xi32>
      %parallel_loop3A_475 = arith.select %parallel_loop3A_471, %parallel_loop3A_474, %parallel_loop3A_442 : vector<16xi1>, vector<16xi32>
      %parallel_loop3A_476 = vector.shape_cast %parallel_loop3A_475 : vector<16xi32> to vector<16x1xi32>
      %parallel_loop3A_477 = vector.shape_cast %parallel_loop3A_476 : vector<16x1xi32> to vector<16xi32>
      %parallel_loop3A_478 = tpu.dynamic_gather %get3A_33[%parallel_loop3A_477] in [0] : vector<16xf32>, vector<16xi32> -> vector<16xf32>
      %parallel_loop3A_479 = arith.index_cast %parallel_loop3A_110 : i32 to index
      %parallel_loop3A_480 = arith.constant 336 : index
      %parallel_loop3A_481 = tpu.vector_load %arg7[%parallel_loop3A_479, %parallel_loop3A_480] {strides = array<i32>} : memref<200x512xf32, #tpu.memory_space<vmem>>, vector<16xf32>,
      tpu.vector_store %arg7[%parallel_loop3A_479, %parallel_loop3A_480], %parallel_loop3A_478 {strides = array<i32>} : memref<200x512xf32, #tpu.memory_space<vmem>>, vector<16xf32>,
      %parallel_loop3A_482 = arith.constant 0 : i32
      %parallel_loop3A_483 = vector.broadcast %parallel_loop3A_482 : i32 to vector<16xi32>
      %parallel_loop3A_484 = arith.cmpi slt, %parallel_loop3A_442, %parallel_loop3A_483 : vector<16xi32>
      %parallel_loop3A_485 = arith.constant 16 : i32
      %parallel_loop3A_486 = vector.broadcast %parallel_loop3A_485 : i32 to vector<16xi32>
      %parallel_loop3A_487 = arith.addi %parallel_loop3A_442, %parallel_loop3A_486 : vector<16xi32>
      %parallel_loop3A_488 = arith.select %parallel_loop3A_484, %parallel_loop3A_487, %parallel_loop3A_442 : vector<16xi1>, vector<16xi32>
      %parallel_loop3A_489 = vector.shape_cast %parallel_loop3A_488 : vector<16xi32> to vector<16x1xi32>
      %parallel_loop3A_490 = vector.shape_cast %parallel_loop3A_489 : vector<16x1xi32> to vector<16xi32>
      %parallel_loop3A_491 = tpu.dynamic_gather %gather3A_49[%parallel_loop3A_490] in [0] : vector<16xf32>, vector<16xi32> -> vector<16xf32>
      %parallel_loop3A_492 = arith.index_cast %parallel_loop3A_110 : i32 to index
      %parallel_loop3A_493 = arith.constant 464 : index
      %parallel_loop3A_494 = tpu.vector_load %arg7[%parallel_loop3A_492, %parallel_loop3A_493] {strides = array<i32>} : memref<200x512xf32, #tpu.memory_space<vmem>>, vector<16xf32>,
      tpu.vector_store %arg7[%parallel_loop3A_492, %parallel_loop3A_493], %parallel_loop3A_491 {strides = array<i32>} : memref<200x512xf32, #tpu.memory_space<vmem>>, vector<16xf32>,
      %parallel_loop3A_495 = arith.constant 96 : i32
      %parallel_loop3A_496 = arith.addi %parallel_loop3A_152, %parallel_loop3A_495 : i32
      %parallel_loop3A_497 = arith.index_cast %parallel_loop3A_134 : i32 to index
      %parallel_loop3A_498 = arith.index_cast %parallel_loop3A_496 : i32 to index
      %parallel_loop3A_499 = tpu.vector_load %arg6[%parallel_loop3A_497, %parallel_loop3A_498] {strides = array<i32>} : memref<25x1024xi32, #tpu.memory_space<vmem>>, vector<16xi32>,
      %parallel_loop3A_500 = arith.constant 0 : i32
      %parallel_loop3A_501 = vector.broadcast %parallel_loop3A_500 : i32 to vector<16xi32>
      %parallel_loop3A_502 = arith.cmpi slt, %parallel_loop3A_499, %parallel_loop3A_501 : vector<16xi32>
      %parallel_loop3A_503 = arith.constant 16 : i32
      %parallel_loop3A_504 = vector.broadcast %parallel_loop3A_503 : i32 to vector<16xi32>
      %parallel_loop3A_505 = arith.addi %parallel_loop3A_499, %parallel_loop3A_504 : vector<16xi32>
      %parallel_loop3A_506 = arith.select %parallel_loop3A_502, %parallel_loop3A_505, %parallel_loop3A_499 : vector<16xi1>, vector<16xi32>
      %parallel_loop3A_507 = vector.shape_cast %parallel_loop3A_506 : vector<16xi32> to vector<16x1xi32>
      %parallel_loop3A_508 = vector.shape_cast %parallel_loop3A_507 : vector<16x1xi32> to vector<16xi32>
      %parallel_loop3A_509 = tpu.dynamic_gather %get3A_31[%parallel_loop3A_508] in [0] : vector<16xf32>, vector<16xi32> -> vector<16xf32>
      %parallel_loop3A_510 = arith.index_cast %parallel_loop3A_110 : i32 to index
      %parallel_loop3A_511 = arith.constant 96 : index
      %parallel_loop3A_512 = tpu.vector_load %arg7[%parallel_loop3A_510, %parallel_loop3A_511] {strides = array<i32>} : memref<200x512xf32, #tpu.memory_space<vmem>>, vector<16xf32>,
      tpu.vector_store %arg7[%parallel_loop3A_510, %parallel_loop3A_511], %parallel_loop3A_509 {strides = array<i32>} : memref<200x512xf32, #tpu.memory_space<vmem>>, vector<16xf32>,
      %parallel_loop3A_513 = arith.constant 0 : i32
      %parallel_loop3A_514 = vector.broadcast %parallel_loop3A_513 : i32 to vector<16xi32>
      %parallel_loop3A_515 = arith.cmpi slt, %parallel_loop3A_499, %parallel_loop3A_514 : vector<16xi32>
      %parallel_loop3A_516 = arith.constant 16 : i32
      %parallel_loop3A_517 = vector.broadcast %parallel_loop3A_516 : i32 to vector<16xi32>
      %parallel_loop3A_518 = arith.addi %parallel_loop3A_499, %parallel_loop3A_517 : vector<16xi32>
      %parallel_loop3A_519 = arith.select %parallel_loop3A_515, %parallel_loop3A_518, %parallel_loop3A_499 : vector<16xi1>, vector<16xi32>
      %parallel_loop3A_520 = vector.shape_cast %parallel_loop3A_519 : vector<16xi32> to vector<16x1xi32>
      %parallel_loop3A_521 = vector.shape_cast %parallel_loop3A_520 : vector<16x1xi32> to vector<16xi32>
      %parallel_loop3A_522 = tpu.dynamic_gather %gather3A_39[%parallel_loop3A_521] in [0] : vector<16xf32>, vector<16xi32> -> vector<16xf32>
      %parallel_loop3A_523 = arith.index_cast %parallel_loop3A_110 : i32 to index
      %parallel_loop3A_524 = arith.constant 224 : index
      %parallel_loop3A_525 = tpu.vector_load %arg7[%parallel_loop3A_523, %parallel_loop3A_524] {strides = array<i32>} : memref<200x512xf32, #tpu.memory_space<vmem>>, vector<16xf32>,
      tpu.vector_store %arg7[%parallel_loop3A_523, %parallel_loop3A_524], %parallel_loop3A_522 {strides = array<i32>} : memref<200x512xf32, #tpu.memory_space<vmem>>, vector<16xf32>,
      %parallel_loop3A_526 = arith.constant 0 : i32
      %parallel_loop3A_527 = vector.broadcast %parallel_loop3A_526 : i32 to vector<16xi32>
      %parallel_loop3A_528 = arith.cmpi slt, %parallel_loop3A_499, %parallel_loop3A_527 : vector<16xi32>
      %parallel_loop3A_529 = arith.constant 16 : i32
      %parallel_loop3A_530 = vector.broadcast %parallel_loop3A_529 : i32 to vector<16xi32>
      %parallel_loop3A_531 = arith.addi %parallel_loop3A_499, %parallel_loop3A_530 : vector<16xi32>
      %parallel_loop3A_532 = arith.select %parallel_loop3A_528, %parallel_loop3A_531, %parallel_loop3A_499 : vector<16xi1>, vector<16xi32>
      %parallel_loop3A_533 = vector.shape_cast %parallel_loop3A_532 : vector<16xi32> to vector<16x1xi32>
      %parallel_loop3A_534 = vector.shape_cast %parallel_loop3A_533 : vector<16x1xi32> to vector<16xi32>
      %parallel_loop3A_535 = tpu.dynamic_gather %get3A_33[%parallel_loop3A_534] in [0] : vector<16xf32>, vector<16xi32> -> vector<16xf32>
      %parallel_loop3A_536 = arith.index_cast %parallel_loop3A_110 : i32 to index
      %parallel_loop3A_537 = arith.constant 352 : index
      %parallel_loop3A_538 = tpu.vector_load %arg7[%parallel_loop3A_536, %parallel_loop3A_537] {strides = array<i32>} : memref<200x512xf32, #tpu.memory_space<vmem>>, vector<16xf32>,
      tpu.vector_store %arg7[%parallel_loop3A_536, %parallel_loop3A_537], %parallel_loop3A_535 {strides = array<i32>} : memref<200x512xf32, #tpu.memory_space<vmem>>, vector<16xf32>,
      %parallel_loop3A_539 = arith.constant 0 : i32
      %parallel_loop3A_540 = vector.broadcast %parallel_loop3A_539 : i32 to vector<16xi32>
      %parallel_loop3A_541 = arith.cmpi slt, %parallel_loop3A_499, %parallel_loop3A_540 : vector<16xi32>
      %parallel_loop3A_542 = arith.constant 16 : i32
      %parallel_loop3A_543 = vector.broadcast %parallel_loop3A_542 : i32 to vector<16xi32>
      %parallel_loop3A_544 = arith.addi %parallel_loop3A_499, %parallel_loop3A_543 : vector<16xi32>
      %parallel_loop3A_545 = arith.select %parallel_loop3A_541, %parallel_loop3A_544, %parallel_loop3A_499 : vector<16xi1>, vector<16xi32>
      %parallel_loop3A_546 = vector.shape_cast %parallel_loop3A_545 : vector<16xi32> to vector<16x1xi32>
      %parallel_loop3A_547 = vector.shape_cast %parallel_loop3A_546 : vector<16x1xi32> to vector<16xi32>
      %parallel_loop3A_548 = tpu.dynamic_gather %gather3A_49[%parallel_loop3A_547] in [0] : vector<16xf32>, vector<16xi32> -> vector<16xf32>
      %parallel_loop3A_549 = arith.index_cast %parallel_loop3A_110 : i32 to index
      %parallel_loop3A_550 = arith.constant 480 : index
      %parallel_loop3A_551 = tpu.vector_load %arg7[%parallel_loop3A_549, %parallel_loop3A_550] {strides = array<i32>} : memref<200x512xf32, #tpu.memory_space<vmem>>, vector<16xf32>,
      tpu.vector_store %arg7[%parallel_loop3A_549, %parallel_loop3A_550], %parallel_loop3A_548 {strides = array<i32>} : memref<200x512xf32, #tpu.memory_space<vmem>>, vector<16xf32>,
      %parallel_loop3A_552 = arith.constant 112 : i32
      %parallel_loop3A_553 = arith.addi %parallel_loop3A_152, %parallel_loop3A_552 : i32
      %parallel_loop3A_554 = arith.index_cast %parallel_loop3A_134 : i32 to index
      %parallel_loop3A_555 = arith.index_cast %parallel_loop3A_553 : i32 to index
      %parallel_loop3A_556 = tpu.vector_load %arg6[%parallel_loop3A_554, %parallel_loop3A_555] {strides = array<i32>} : memref<25x1024xi32, #tpu.memory_space<vmem>>, vector<16xi32>,
      %parallel_loop3A_557 = arith.constant 0 : i32
      %parallel_loop3A_558 = vector.broadcast %parallel_loop3A_557 : i32 to vector<16xi32>
      %parallel_loop3A_559 = arith.cmpi slt, %parallel_loop3A_556, %parallel_loop3A_558 : vector<16xi32>
      %parallel_loop3A_560 = arith.constant 16 : i32
      %parallel_loop3A_561 = vector.broadcast %parallel_loop3A_560 : i32 to vector<16xi32>
      %parallel_loop3A_562 = arith.addi %parallel_loop3A_556, %parallel_loop3A_561 : vector<16xi32>
      %parallel_loop3A_563 = arith.select %parallel_loop3A_559, %parallel_loop3A_562, %parallel_loop3A_556 : vector<16xi1>, vector<16xi32>
      %parallel_loop3A_564 = vector.shape_cast %parallel_loop3A_563 : vector<16xi32> to vector<16x1xi32>
      %parallel_loop3A_565 = vector.shape_cast %parallel_loop3A_564 : vector<16x1xi32> to vector<16xi32>
      %parallel_loop3A_566 = tpu.dynamic_gather %get3A_31[%parallel_loop3A_565] in [0] : vector<16xf32>, vector<16xi32> -> vector<16xf32>
      %parallel_loop3A_567 = arith.index_cast %parallel_loop3A_110 : i32 to index
      %parallel_loop3A_568 = arith.constant 112 : index
      %parallel_loop3A_569 = tpu.vector_load %arg7[%parallel_loop3A_567, %parallel_loop3A_568] {strides = array<i32>} : memref<200x512xf32, #tpu.memory_space<vmem>>, vector<16xf32>,
      tpu.vector_store %arg7[%parallel_loop3A_567, %parallel_loop3A_568], %parallel_loop3A_566 {strides = array<i32>} : memref<200x512xf32, #tpu.memory_space<vmem>>, vector<16xf32>,
      %parallel_loop3A_570 = arith.constant 0 : i32
      %parallel_loop3A_571 = vector.broadcast %parallel_loop3A_570 : i32 to vector<16xi32>
      %parallel_loop3A_572 = arith.cmpi slt, %parallel_loop3A_556, %parallel_loop3A_571 : vector<16xi32>
      %parallel_loop3A_573 = arith.constant 16 : i32
      %parallel_loop3A_574 = vector.broadcast %parallel_loop3A_573 : i32 to vector<16xi32>
      %parallel_loop3A_575 = arith.addi %parallel_loop3A_556, %parallel_loop3A_574 : vector<16xi32>
      %parallel_loop3A_576 = arith.select %parallel_loop3A_572, %parallel_loop3A_575, %parallel_loop3A_556 : vector<16xi1>, vector<16xi32>
      %parallel_loop3A_577 = vector.shape_cast %parallel_loop3A_576 : vector<16xi32> to vector<16x1xi32>
      %parallel_loop3A_578 = vector.shape_cast %parallel_loop3A_577 : vector<16x1xi32> to vector<16xi32>
      %parallel_loop3A_579 = tpu.dynamic_gather %gather3A_39[%parallel_loop3A_578] in [0] : vector<16xf32>, vector<16xi32> -> vector<16xf32>
      %parallel_loop3A_580 = arith.index_cast %parallel_loop3A_110 : i32 to index
      %parallel_loop3A_581 = arith.constant 240 : index
      %parallel_loop3A_582 = tpu.vector_load %arg7[%parallel_loop3A_580, %parallel_loop3A_581] {strides = array<i32>} : memref<200x512xf32, #tpu.memory_space<vmem>>, vector<16xf32>,
      tpu.vector_store %arg7[%parallel_loop3A_580, %parallel_loop3A_581], %parallel_loop3A_579 {strides = array<i32>} : memref<200x512xf32, #tpu.memory_space<vmem>>, vector<16xf32>,
      %parallel_loop3A_583 = arith.constant 0 : i32
      %parallel_loop3A_584 = vector.broadcast %parallel_loop3A_583 : i32 to vector<16xi32>
      %parallel_loop3A_585 = arith.cmpi slt, %parallel_loop3A_556, %parallel_loop3A_584 : vector<16xi32>
      %parallel_loop3A_586 = arith.constant 16 : i32
      %parallel_loop3A_587 = vector.broadcast %parallel_loop3A_586 : i32 to vector<16xi32>
      %parallel_loop3A_588 = arith.addi %parallel_loop3A_556, %parallel_loop3A_587 : vector<16xi32>
      %parallel_loop3A_589 = arith.select %parallel_loop3A_585, %parallel_loop3A_588, %parallel_loop3A_556 : vector<16xi1>, vector<16xi32>
      %parallel_loop3A_590 = vector.shape_cast %parallel_loop3A_589 : vector<16xi32> to vector<16x1xi32>
      %parallel_loop3A_591 = vector.shape_cast %parallel_loop3A_590 : vector<16x1xi32> to vector<16xi32>
      %parallel_loop3A_592 = tpu.dynamic_gather %get3A_33[%parallel_loop3A_591] in [0] : vector<16xf32>, vector<16xi32> -> vector<16xf32>
      %parallel_loop3A_593 = arith.index_cast %parallel_loop3A_110 : i32 to index
      %parallel_loop3A_594 = arith.constant 368 : index
      %parallel_loop3A_595 = tpu.vector_load %arg7[%parallel_loop3A_593, %parallel_loop3A_594] {strides = array<i32>} : memref<200x512xf32, #tpu.memory_space<vmem>>, vector<16xf32>,
      tpu.vector_store %arg7[%parallel_loop3A_593, %parallel_loop3A_594], %parallel_loop3A_592 {strides = array<i32>} : memref<200x512xf32, #tpu.memory_space<vmem>>, vector<16xf32>,
      %parallel_loop3A_596 = arith.constant 0 : i32
      %parallel_loop3A_597 = vector.broadcast %parallel_loop3A_596 : i32 to vector<16xi32>
      %parallel_loop3A_598 = arith.cmpi slt, %parallel_loop3A_556, %parallel_loop3A_597 : vector<16xi32>
      %parallel_loop3A_599 = arith.constant 16 : i32
      %parallel_loop3A_600 = vector.broadcast %parallel_loop3A_599 : i32 to vector<16xi32>
      %parallel_loop3A_601 = arith.addi %parallel_loop3A_556, %parallel_loop3A_600 : vector<16xi32>
      %parallel_loop3A_602 = arith.select %parallel_loop3A_598, %parallel_loop3A_601, %parallel_loop3A_556 : vector<16xi1>, vector<16xi32>
      %parallel_loop3A_603 = vector.shape_cast %parallel_loop3A_602 : vector<16xi32> to vector<16x1xi32>
      %parallel_loop3A_604 = vector.shape_cast %parallel_loop3A_603 : vector<16x1xi32> to vector<16xi32>
      %parallel_loop3A_605 = tpu.dynamic_gather %gather3A_49[%parallel_loop3A_604] in [0] : vector<16xf32>, vector<16xi32> -> vector<16xf32>
      %parallel_loop3A_606 = arith.index_cast %parallel_loop3A_110 : i32 to index
      %parallel_loop3A_607 = arith.constant 496 : index
      %parallel_loop3A_608 = tpu.vector_load %arg7[%parallel_loop3A_606, %parallel_loop3A_607] {strides = array<i32>} : memref<200x512xf32, #tpu.memory_space<vmem>>, vector<16xf32>,
      tpu.vector_store %arg7[%parallel_loop3A_606, %parallel_loop3A_607], %parallel_loop3A_605 {strides = array<i32>} : memref<200x512xf32, #tpu.memory_space<vmem>>, vector<16xf32>,
    } {sc.loop_unroll_factor = 4 : i64, sc.parallel_access}
    %dma_wait3A_96 = arith.constant 0 : i32
    %dma_wait3A_97 = arith.constant 0 : i32
    %dma_wait3A_98 = tpu.memref_slice %arg7[%dma_wait3A_96, %dma_wait3A_97] : memref<200x512xf32, #tpu.memory_space<vmem>> -> memref<100x512xf32, #tpu.memory_space<vmem>>
    %dma_wait3A_99 = arith.constant 0 : i32
    %dma_wait3A_100 = arith.constant 0 : i32
    %dma_wait3A_101 = tpu.memref_slice %arg4[%dma_wait3A_99, %add3A, %dma_wait3A_100] : memref<200x32x512xf32, #tpu.memory_space<hbm>> -> memref<100x1x512xf32, #tpu.memory_space<hbm>>
    %dma_wait3A_102 = tpu.memref_squeeze %dma_wait3A_101 : memref<100x1x512xf32, #tpu.memory_space<hbm>> -> memref<100x512xf32, #tpu.memory_space<hbm>>
    %dma_wait3A_103 = arith.constant 0 : i32
    %dma_wait3A_104 = arith.constant 0 : i32
    %dma_wait3A_105 = tpu.memref_slice %arg4[%dma_wait3A_103, %add3A, %dma_wait3A_104] : memref<200x32x512xf32, #tpu.memory_space<hbm>> -> memref<100x1x512xf32, #tpu.memory_space<hbm>>
    %dma_wait3A_106 = tpu.memref_squeeze %dma_wait3A_105 : memref<100x1x512xf32, #tpu.memory_space<hbm>> -> memref<100x512xf32, #tpu.memory_space<hbm>>
    %dma_wait3A_107 = arith.constant 0 : i32
    %dma_wait3A_108 = arith.constant 0 : i32
    %dma_wait3A_109 = tpu.memref_slice %arg7[%dma_wait3A_107, %dma_wait3A_108] : memref<200x512xf32, #tpu.memory_space<vmem>> -> memref<100x512xf32, #tpu.memory_space<vmem>>
    tpu.wait_dma2 semaphore(%arg8 : memref<!tpu.dma_semaphore, #tpu.memory_space<semaphore_mem>>) src(%dma_wait3A_109 : memref<100x512xf32, #tpu.memory_space<vmem>>) dst(%dma_wait3A_106 : memref<100x512xf32, #tpu.memory_space<hbm>>)
    "tpu.region"() ({
      %run_scoped3A = tpu.sem_alloc : memref<!tpu.dma_semaphore, #tpu.memory_space<semaphore_mem>>
      %dma_start3A_110 = arith.constant 100 : i32
      %dma_start3A_111 = arith.constant 0 : i32
      %dma_start3A_112 = tpu.memref_slice %arg7[%dma_start3A_110, %dma_start3A_111] : memref<200x512xf32, #tpu.memory_space<vmem>> -> memref<100x512xf32, #tpu.memory_space<vmem>>
      %dma_start3A_113 = arith.constant 100 : i32
      %dma_start3A_114 = arith.constant 0 : i32
      %dma_start3A_115 = tpu.memref_slice %arg4[%dma_start3A_113, %add3A, %dma_start3A_114] : memref<200x32x512xf32, #tpu.memory_space<hbm>> -> memref<100x1x512xf32, #tpu.memory_space<hbm>>
      %dma_start3A_116 = tpu.memref_squeeze %dma_start3A_115 : memref<100x1x512xf32, #tpu.memory_space<hbm>> -> memref<100x512xf32, #tpu.memory_space<hbm>>
      %dma_start3A_117 = arith.constant 100 : i32
      %dma_start3A_118 = arith.constant 0 : i32
      %dma_start3A_119 = tpu.memref_slice %arg4[%dma_start3A_117, %add3A, %dma_start3A_118] : memref<200x32x512xf32, #tpu.memory_space<hbm>> -> memref<100x1x512xf32, #tpu.memory_space<hbm>>
      %dma_start3A_120 = tpu.memref_squeeze %dma_start3A_119 : memref<100x1x512xf32, #tpu.memory_space<hbm>> -> memref<100x512xf32, #tpu.memory_space<hbm>>
      %dma_start3A_121 = arith.constant 100 : i32
      %dma_start3A_122 = arith.constant 0 : i32
      %dma_start3A_123 = tpu.memref_slice %arg7[%dma_start3A_121, %dma_start3A_122] : memref<200x512xf32, #tpu.memory_space<vmem>> -> memref<100x512xf32, #tpu.memory_space<vmem>>
      tpu.enqueue_dma source(%dma_start3A_123 : memref<100x512xf32, #tpu.memory_space<vmem>>) target(%dma_start3A_120 : memref<100x512xf32, #tpu.memory_space<hbm>>) target_semaphore(%run_scoped3A : memref<!tpu.dma_semaphore, #tpu.memory_space<semaphore_mem>>)
      %dma_wait3A_124 = arith.constant 100 : i32
      %dma_wait3A_125 = arith.constant 0 : i32
      %dma_wait3A_126 = tpu.memref_slice %arg7[%dma_wait3A_124, %dma_wait3A_125] : memref<200x512xf32, #tpu.memory_space<vmem>> -> memref<100x512xf32, #tpu.memory_space<vmem>>
      %dma_wait3A_127 = arith.constant 100 : i32
      %dma_wait3A_128 = arith.constant 0 : i32
      %dma_wait3A_129 = tpu.memref_slice %arg4[%dma_wait3A_127, %add3A, %dma_wait3A_128] : memref<200x32x512xf32, #tpu.memory_space<hbm>> -> memref<100x1x512xf32, #tpu.memory_space<hbm>>
      %dma_wait3A_130 = tpu.memref_squeeze %dma_wait3A_129 : memref<100x1x512xf32, #tpu.memory_space<hbm>> -> memref<100x512xf32, #tpu.memory_space<hbm>>
      %dma_wait3A_131 = arith.constant 100 : i32
      %dma_wait3A_132 = arith.constant 0 : i32
      %dma_wait3A_133 = tpu.memref_slice %arg4[%dma_wait3A_131, %add3A, %dma_wait3A_132] : memref<200x32x512xf32, #tpu.memory_space<hbm>> -> memref<100x1x512xf32, #tpu.memory_space<hbm>>
      %dma_wait3A_134 = tpu.memref_squeeze %dma_wait3A_133 : memref<100x1x512xf32, #tpu.memory_space<hbm>> -> memref<100x512xf32, #tpu.memory_space<hbm>>
      %dma_wait3A_135 = arith.constant 100 : i32
      %dma_wait3A_136 = arith.constant 0 : i32
      %dma_wait3A_137 = tpu.memref_slice %arg7[%dma_wait3A_135, %dma_wait3A_136] : memref<200x512xf32, #tpu.memory_space<vmem>> -> memref<100x512xf32, #tpu.memory_space<vmem>>
      tpu.wait_dma2 semaphore(%run_scoped3A : memref<!tpu.dma_semaphore, #tpu.memory_space<semaphore_mem>>) src(%dma_wait3A_137 : memref<100x512xf32, #tpu.memory_space<vmem>>) dst(%dma_wait3A_134 : memref<100x512xf32, #tpu.memory_space<hbm>>)
      tpu.yield
    }) : () -> ()
    return
  }
}

</mosaic_0001>

<sc_bundles>
// kernel: kernel.3.cloned.1.call-start
scs
__scs_entry_jumppad:
0x0: {  	(pc) =	sbr.rel $0x88, $3  }
0x1: {  	(tag) =	ssettag $0x0;
	lr =	simm.s32 $0x1  }
0x2: {  	[smem:$0x3F9F] =	sst lr;
	_ =	strace $0xD0000000  }
0x3: {  	_ = 	snop  }
0x4: {  	_ = 	snop  }
0x5: {  	_ = 	snop  }
0x6: {  	_ = 	snop  }
0x7: {  	_ = 	snop  }
__scs_overlays_trampoline_lowered:
0x8: {  	[smem:$0x3FAE] =	sst s0  }
0x9: {  	[smem:$0x3FAF] =	sst s1  }
0xa: {  	[smem:$0x3FB0] =	sst s2  }
0xb: {  	[smem:$0x3FB1] =	sst s3  }
0xc: {  	[smem:$0x3FB2] =	sst s4  }
0xd: {  	[smem:$0x3FB3] =	sst s5  }
0xe: {  	[smem:$0x3FB4] =	sst s6  }
0xf: {  	[smem:$0x3FB5] =	sst s7  }
0x10: {  	[smem:$0x3FB6] =	sst s8  }
0x11: {  	[smem:$0x3FB7] =	sst s9;
	s0 =	simm.s32 @!p0 $0x0  }
0x12: {  	s1 =	sld [smem:$0x3F9D];
	s0 =	simm.s32 @p0 $0x1  }
0x13: {  	[smem:$0x3FB8] =	sst s0;
	s0 =	simm.s32 @!p1 $0x0  }
0x14: {  	s2 =	sld [smem:$0x3F9C];
	s0 =	simm.s32 @p1 $0x1  }
0x15: {  	[smem:$0x3FB9] =	sst s0;
	s0 =	simm.s32 @!p2 $0x0  }
0x16: {  	s3 =	sld [smem:$0x3FDB];
	s0 =	simm.s32 @p2 $0x1  }
0x17: {  	s4 =	simm.s32 $0x1BF5;
	[smem:$0x3FBB] =	sst s0  }
0x18: {  	s0 =	sld [smem:$0x3F9E];
	_ =	swait.ge [sflag:s4], $0x0  }
0x19: {  	s7 =	sld [smem:$0x3F9F]  }
0x1a: {  	s8 =	sadd.s32 $0xFFFFE003, lr  }
0x1b: {  	s9 =	sadd.s32 $0xFFFFFEF7, lr;
	s5 =	simm.s32 $0xFFFFFFFF;
	p2 =	slt.u32 s8, $0xFFFFF086  }
0x1c: {  	p1 =	slt.u32 s9, $0xF7A;
	s5 =	simm.s32 @!p2 $0x0  }
0x1d: {  	s5 =	simm.s32 @p1 $0x1;
	p0 =	seq.s32 s7, s2  }
0x1e: {  	s7 =	smul.u32 @!p0 $0xF7A, s2;
	p2 =	seq.s32 @!p0 s5, $0x0  }
0x1f: {  	s9 =	smul.u32 $0xF7A, s1;
	s8 =	simm.s32 @!p0 $0x1BF5;
	p2 =	por !p2, p0  }
0x20: {  	[sflag:s8] =	ssyncset.s32 @!p0 $0xFFFFF086;
	s6 =	sadd.s32 @!p0 s3, s7;
	s7 =	simm.s32 @!p0 $0x108  }
0x21: {  	s3 =	sadd.s32 s3, s9;
	s6 =	sadd.s32 @!p0 $0x88, s6;
	s7 =	simm.s32 @p2 $0x1082  }
0x22: {  	[simem:s7], [sflag:s8] =	dma.local @!p0 [hbm:s6], $0xF7A  }
0x23: {  	s9 =	sor.u32 $0xD0000000, s2;
	s6 =	simm.s32 $0x108;
	_ =	swait.ge @!p0 [sflag:s8], $0x0  }
0x24: {  	s3 =	sadd.s32 $0x88, s3;
	s6 =	simm.s32 @!p1 $0x1082;
	[sflag:s4] =	ssyncset.s32 $0xFFFFF086  }
0x25: {  	[simem:s6], [sflag:s4] =	dma.local [hbm:s3], $0xF7A  }
0x26: {  	[smem:$0x3F9F] =	sst s1;
	(tag) =	ssettag s2;
	_ =	strace s9  }
0x27: {  	s1 =	sld [smem:$0x3FAF]  }
0x28: {  	s2 =	sld [smem:$0x3FB0]  }
0x29: {  	s4 =	sld [smem:$0x3FB2]  }
0x2a: {  	p0 =	seq.s32 s5, $0x0;
	s5 =	sld [smem:$0x3FB3]  }
0x2b: {  	s6 =	sld [smem:$0x3FB4]  }
0x2c: {  	s7 =	sld [smem:$0x3FB5]  }
0x2d: {  	s3 =	simm.s32 $0x108;
	s8 =	sld [smem:$0x3FB6]  }
0x2e: {  	s3 =	simm.s32 @!p0 $0x1082;
	s9 =	sld [smem:$0x3FB7]  }
0x2f: {  	lr =	sadd.s32 s0, s3;
	s0 =	sld [smem:$0x3FAE]  }
0x30: {  	s3 =	sld [smem:$0x3FB1]  }
0x31: {  	[smem:$0x3FBA] =	sst s10  }
0x32: {  	s10 =	sld [smem:$0x3FB8];
	_ =	sdelay $0x3  }
0x33: {  	p0 =	seq.s32 s10, $0x1;
	s10 =	sld [smem:$0x3FBA];
	_ =	sdelay $0x3  }
0x34: {  	[smem:$0x3FBA] =	sst s10  }
0x35: {  	s10 =	sld [smem:$0x3FB9];
	_ =	sdelay $0x3  }
0x36: {  	p1 =	seq.s32 s10, $0x1;
	s10 =	sld [smem:$0x3FBA];
	_ =	sdelay $0x3  }
0x37: {  	[smem:$0x3FBA] =	sst s10  }
0x38: {  	s10 =	sld [smem:$0x3FBB]  }
0x39: {  	_ = 	snop;
	(pc) =	sbr.ind lr, $3  }
0x3a: {  	_ = 	snop  }
0x3b: {  	_ = 	snop  }
0x3c: {  	p2 =	seq.s32 s10, $0x1;
	s10 =	sld [smem:$0x3FBA]  }
0x3d: {  	_ =	shalt  }
0x3e: {  	_ =	shalt  }
0x3f: {  	_ =	shalt  }
0x40: {  	_ =	shalt  }
0x41: {  	_ =	shalt  }
0x42: {  	_ =	shalt  }
0x43: {  	_ =	shalt  }
0x44: {  	_ =	shalt  }
0x45: {  	_ =	shalt  }
0x46: {  	_ =	shalt  }
0x47: {  	_ =	shalt  }
0x48: {  	_ =	shalt  }
0x49: {  	_ =	shalt  }
0x4a: {  	_ =	shalt  }
0x4b: {  	_ =	shalt  }
0x4c: {  	_ =	shalt  }
0x4d: {  	_ =	shalt  }
0x4e: {  	_ =	shalt  }
0x4f: {  	_ =	shalt  }
0x50: {  	_ =	shalt  }
0x51: {  	_ =	shalt  }
0x52: {  	_ =	shalt  }
0x53: {  	_ =	shalt  }
0x54: {  	_ =	shalt  }
0x55: {  	_ =	shalt  }
0x56: {  	_ =	shalt  }
0x57: {  	_ =	shalt  }
0x58: {  	_ =	shalt  }
0x59: {  	_ =	shalt  }
0x5a: {  	_ =	shalt  }
0x5b: {  	_ =	shalt  }
0x5c: {  	_ =	shalt  }
0x5d: {  	_ =	shalt  }
0x5e: {  	_ =	shalt  }
0x5f: {  	_ =	shalt  }
0x60: {  	_ =	shalt  }
0x61: {  	_ =	shalt  }
0x62: {  	_ =	shalt  }
0x63: {  	_ =	shalt  }
0x64: {  	_ =	shalt  }
0x65: {  	_ =	shalt  }
0x66: {  	_ =	shalt  }
0x67: {  	_ =	shalt  }
0x68: {  	_ =	shalt  }
0x69: {  	_ =	shalt  }
0x6a: {  	_ =	shalt  }
0x6b: {  	_ =	shalt  }
0x6c: {  	_ =	shalt  }
0x6d: {  	_ =	shalt  }
0x6e: {  	_ =	shalt  }
0x6f: {  	_ =	shalt  }
0x70: {  	_ =	shalt  }
0x71: {  	_ =	shalt  }
0x72: {  	_ =	shalt  }
0x73: {  	_ =	shalt  }
0x74: {  	_ =	shalt  }
0x75: {  	_ =	shalt  }
0x76: {  	_ =	shalt  }
0x77: {  	_ =	shalt  }
0x78: {  	_ =	shalt  }
0x79: {  	_ =	shalt  }
0x7a: {  	_ =	shalt  }
0x7b: {  	_ =	shalt  }
0x7c: {  	_ =	shalt  }
0x7d: {  	_ =	shalt  }
0x7e: {  	_ =	shalt  }
0x7f: {  	_ =	shalt  }
0x80: {  	_ =	shalt  }
0x81: {  	_ =	shalt  }
0x82: {  	_ =	shalt  }
0x83: {  	_ =	shalt  }
0x84: {  	_ =	shalt  }
0x85: {  	_ =	shalt  }
0x86: {  	_ =	shalt  }
0x87: {  	_ =	shalt  }
.Lfunc_end0:
.L_simem_size_0:
called_computation_lowered:
.L_overlay_start_0:
0x88: {  	s2 =	sld [smem:$0x3FD9]  }
0x89: {  	s3 =	sld [smem:$0x3FFE];
	_ =	sdelay $0x1  }
0x8a: {  	s1 =	srdreg.scid  }
0x8b: {  	s0 =	sand.u32 $0x1, s1  }
0x8c: {  	s17 =	sshll.u32 s0, $0xA;
	s2 =	sadd.s32 s3, s2  }
0x8d: {  	s2 =	sadd.s32 s2, s17  }
0x8e: {  	[smem:$0x3FC6] =	sst s2  }
0x8f: {  	_ = 	snop  }
0x90: {  	s2 =	sld [smem:$0x3FC9]  }
0x91: {  	s18 =	sld [smem:$0x3FD0];
	(tm) =	ssettm $0x1  }
0x92: {  	s4 =	sld [smem:$0x3FFB];
	_ =	sdelay $0x3  }
0x93: {  	_ =	strace s4  }
0x94: {  	s4 =	sld [smem:$0x3FFC];
	_ =	sdelay $0x3  }
0x95: {  	_ =	strace s4  }
0x96: {  	s4 =	sld [smem:$0x3FFD];
	_ =	sdelay $0x3  }
0x97: {  	_ =	strace s4  }
0x98: {  	_ =	strace $0x8FFFFFFF  }
0x99: {  	s19 =	sld [smem:$0x3FDB];
	_ =	sdelay $0x1  }
0x9a: {  	s5 =	simm.s32 $_scs_section_size  }
0x9b: {  	s6 =	simm.s32 $_size__tile_overlayer_lowered;
	s7 =	simm.s32 $_tile_overlayer_lowered  }
0x9c: {  	s22 =	simm.s32 $0x1BFF;
	s21 =	sshll.u32 s7, $0x1;
	s4 =	sadd.s32 s5, s19  }
0x9d: {  	s8 =	simm.s32 $0x0;
	s20 =	sshll.u32 s6, $0x1;
	s6 =	sadd.s32 s21, s4  }
0x9e: {  	[timem:s8], [sflag:s22] =	dma.local [hbm:s6], s20  }
0x9f: {  	_ =	swait.ge [sflag:s22], s20  }
0xa0: {  	s5 =	ssub.s32 $0x0, s20;
	[sflag:s22] =	ssyncset.done $0x0  }
0xa1: {  	[sflag:s22] =	ssyncadd.s32 s5;
	_ =	sdelay $0x1  }
0xa2: {  	s23 =	simm.s32 $0x1B8B  }
0xa3: {  	_ =	swait.ge [sflag:s23], $0x1  }
0xa4: {  	[sflag:s23] =	ssyncset.done $0x0  }
0xa5: {  	s25 =	simm.s32 $0x1B8E;
	s24 =	sld [smem:$0x3FFE];
	[sflag:s23] =	ssyncadd.s32 $0xFFFFFFFF  }
0xa6: {  	s26 =	simm.s32 $execute0_lowered;
	[smem:$0x3FD2] =	sst s25  }
0xa7: {  	s6 =	sshll.u32 s26, $0x1;
	_ =	strace $0x80000046;
	[dreg:$0x1] =	wrdreg $0xFFFFFFFF  }
0xa8: {  	s28 =	simm.s32 $_size_execute0_lowered;
	s4 =	sadd.s32 s4, s6;
	[dreg:$0x0] =	wrdreg $0x0  }
0xa9: {  	s6 =	sshll.u32 s28, $0x1;
	[dreg:$0x2] =	wrdreg s4  }
0xaa: {  	[dreg:$0x3] =	wrdreg s6  }
0xab: {  	[dreg:$0x4] =	wrdreg $0xC0  }
0xac: {  	_ =	task [dreg:s8], $0x5FFFF  }
0xad: {  	[dreg:$0x1] =	wrdreg $0xFFFFFFFF  }
0xae: {  	[dreg:$0x0] =	wrdreg $0x60  }
0xaf: {  	[dreg:$0x2] =	wrdreg s2  }
0xb0: {  	[dreg:$0x3] =	wrdreg s24  }
0xb1: {  	[dreg:$0x4] =	wrdreg s18  }
0xb2: {  	[dreg:$0x5] =	wrdreg $0x9  }
0xb3: {  	_ =	task.clear_ibuf [dreg:s8], $0x6FFFF;
	_ =	strace $0x90000046  }
0xb4: {  	s29 =	simm.s32 $0x9;
	_ =	strace $0x80000048  }
0xb5: {  	_ =	swait.ge [sflag:s29], $0x1  }
0xb6: {  	[sflag:s29] =	ssyncadd.s32 $0xFFFFFFFF  }
0xb7: {  	_ =	strace $0x90000048  }
0xb8: {  	_ =	sfence  }
0xb9: {  	s30 =	sld [smem:$0x0];
	_ =	sdelay $0x2  }
0xba: {  	s31 =	sshll.u32 s1, $0xD;
	s1 =	sshrl.u32 s1, $0x2  }
0xbb: {  	s3 =	sand.u32 $0x4000, s31;
	s1 =	sadd.s32 s1, s30  }
0xbc: {  	s0 =	sor.u32 s3, s0;
	s1 =	sshll.u32 s1, $0x11  }
0xbd: {  	s0 =	sor.u32 s1, s0  }
0xbe: {  	s0 =	sadd.s32 $0x8F2B, s0  }
0xbf: {  	[sflag:s0] =	ssyncadd.remote.s32 $0x1  }
0xc0: {  	_ =	sfence.sel $0xFFFF  }
0xc1: {  	[dreg:$0x0] =	wrdreg $0xFFFFFFFF;
	(pc) =	sbr.abs _section_cstart, $3  }
0xc2: {  	[dreg:$0x1] =	wrdreg $0xFFFFFFFF  }
0xc3: {  	_ =	task.clear_ibuf [dreg:s8], $0x2FFFF;
	_ =	strace $0x9FFFFFFF  }
0xc4: {  	(tm) =	ssettm $0x7FFFFFFF  }
0xc5: {  	_ =	shalt  }
tec
execute0_lowered:
.L_overlay_start_1:
0x0: {  	(tag) =	ssettag $0x1  }
0x1: {  	s4 =	rddreg [dreg:$0x0]  }
0x2: {  	s3 =	rddreg [dreg:$0x1]  }
0x3: {  	s5 =	rddreg [dreg:$0x2];
	s2 =	simm.s32 $0x0  }
0x4: {  	s6 =	srdreg.scid;
	s1 =	stileid.u32;
	s10 =	simm.s32 $0x8000  }
0x5: {  	s11 =	simm.s32 $0x20;
	s12 =	simm.s32 $0x3420;
	s13 =	simm.s32 $0x3  }
0x6: {  	s14 =	simm.s32 $0x1;
	s15 =	simm.s32 $0x2;
	s16 =	simm.s32 $0x200  }
0x7: {  	s17 =	simm.s32 $0x4000;
	s18 =	simm.s32 $0x6420;
	s19 =	simm.s32 $0x12C20  }
0x8: {  	s20 =	simm.s32 $0x0;
	[smem:$0x7FF] =	sst s2;
	s6 =	sand.u32 $0x1, s6  }
0x9: {  	s7 =	sshll.u32 s1, $0x1;
	s3 =	sadd.s32 $0x400, s3;
	s8 =	ssub.s32 $0x2, s6  }
0xa: {  	_ =	strace $0x80000047;
	s6 =	sor.u32 s6, s7;
	s31 =	sshrl.u32 s8, $0x1  }
0xb: {  	s9 =	sshll.u32 s6, $0x7;
	s6 =	sshll.u32 s6, $0x6;
	s8 =	ssub.s32 s8, s31  }
0xc: {  	v0 =	vlaneseq.u32;
	s4 =	sadd.s32 s4, s9;
	s5 =	sadd.s32 s5, s6;
	s9 =	simm.s32 $0x400  }
0xd: {  	v0 =	vadd.s32 $0x8, v0;
	s6 =	sadd.s32 $0xD000, s4;
	s7 =	sadd.s32 $0x32000, s5;
	s8 =	smax.u32 s8, $0x1  }
.LBB2_1:
0xe: {  	[tilespmem:s11], [sflag:$0x1] =	stream.strided.gather [hbm4b:s4+s9], $0x3400, s10, s9, $0x38;
	[tilespmem:$0x1F420] =	vst v63  }
0xf: {  	_ = 	snop  }
0x10: {  	[tilespmem:s12], [sflag:$0x2] =	stream.strided.gather [hbm4b:s6+s9], $0x3000, s10, s9, $0x38;
	[tilespmem:$0x1F420] =	vst v63  }
0x11: {  	_ = 	snop  }
0x12: {  	[tilespmem:s2], [sflag:$0x3] =	stream.linear.gather [hbm4b:s3+s2], $0x20, $0x38;
	[tilespmem:$0x1F420] =	vst v63  }
0x13: {  	_ =	swait.ge [sflag:s13], $0x20  }
0x14: {  	[sflag:s13] =	ssyncset.done $0x0  }
0x15: {  	[sflag:s13] =	ssyncadd.s32 $0xFFFFFFE0  }
0x16: {  	v2 =	vld [tilespmem:$0x0]  }
0x17: {  	s21 =	sand.u32 $0x3C00, s2;
	s22 =	simm.s32 $0x180;
	v1 =	vld [tilespmem:$0x10];
	_ =	swait.ge [sflag:s14], $0x3400  }
0x18: {  	s26 =	sor.u32 $0x20, s21;
	s28 =	sand.u32 $0x380, s22;
	[sflag:s14] =	ssyncset.done $0x0  }
0x19: {  	s25 =	sor.u32 s28, s26;
	[sflag:s14] =	ssyncadd.s32 $0xFFFFCC00  }
0x1a: {  	v4 =	vld [tilespmem:s25+$0x0];
	_ =	sdelay $0x1  }
0x1b: {  	s29 =	sand.u32 $0x200, s2  }
0x1c: {  	s24 =	sor.u32 s29, s26  }
0x1d: {  	v5 =	vld [tilespmem:s24+$0x0]  }
0x1e: {  	s30 =	simm.s32 $0x80;
	v3 =	vshrl.u32 v4, $0x1B  }
0x1f: {  	s21 =	sand.u32 $0x280, s30;
	v6 =	vand.u32 $0x10, v3  }
0x20: {  	s23 =	sor.u32 s21, s26;
	v3 =	vperm.xlane v2, v0;
	v6 =	vadd.s32 v4, v6  }
0x21: {  	v7 =	vld [tilespmem:s23+$0x0];
	v8 =	vperm.xlane v2, v6  }
0x22: {  	s31 =	simm.s32 $0x100;
	s21 =	simm.s32 $0x6820;
	v9 =	vshrl.u32 v5, $0x1B;
	v4 =	vperm.xlane v1, v0;
	v10 =	vperm.xlane v3, v6  }
0x23: {  	s22 =	sand.u32 $0x300, s31;
	v9 =	vand.u32 $0x10, v9;
	[tilespmem:s21+$0x200] =	vst v8;
	v8 =	vperm.xlane v1, v6  }
0x24: {  	s22 =	sor.u32 s22, s26;
	v5 =	vadd.s32 v5, v9;
	[tilespmem:s21+$0x280] =	vst v10;
	v6 =	vperm.xlane v4, v6  }
0x25: {  	v9 =	vld [tilespmem:s22+$0x0];
	v10 =	vperm.xlane v2, v5;
	[tilespmem:s21+$0x300] =	vst v8  }
0x26: {  	v11 =	vperm.xlane v3, v5;
	v8 =	vshrl.u32 v7, $0x1B;
	[tilespmem:s21+$0x380] =	vst v6  }
0x27: {  	[tilespmem:s21+$0xFFFFFC00] =	vst v10;
	v6 =	vand.u32 $0x10, v8;
	v8 =	vperm.xlane v1, v5;
	v10 =	vld [tilespmem:s25+$0x10]  }
0x28: {  	[tilespmem:s21+$0xFFFFFC80] =	vst v11;
	v5 =	vperm.xlane v4, v5;
	v6 =	vadd.s32 v7, v6  }
0x29: {  	v7 =	vperm.xlane v2, v6;
	[tilespmem:s21+$0xFFFFFD00] =	vst v8  }
0x2a: {  	v8 =	vshrl.u32 v9, $0x1B;
	v11 =	vperm.xlane v3, v6;
	[tilespmem:s21+$0xFFFFFD80] =	vst v5  }
0x2b: {  	v5 =	vand.u32 $0x10, v8;
	v8 =	vperm.xlane v1, v6;
	[tilespmem:s21+$0xFFFFFE00] =	vst v7  }
0x2c: {  	v6 =	vperm.xlane v4, v6;
	v5 =	vadd.s32 v9, v5;
	[tilespmem:s21+$0xFFFFFE80] =	vst v11;
	v7 =	vshrl.u32 v10, $0x1B  }
0x2d: {  	v11 =	vld [tilespmem:s24+$0x10];
	v9 =	vperm.xlane v2, v5;
	[tilespmem:s21+$0xFFFFFF00] =	vst v8;
	v7 =	vand.u32 $0x10, v7  }
0x2e: {  	v8 =	vperm.xlane v3, v5;
	[tilespmem:s21+$0xFFFFFF80] =	vst v6;
	v6 =	vadd.s32 v10, v7  }
0x2f: {  	[tilespmem:s21+$0x0] =	vst v9;
	v7 =	vperm.xlane v2, v6  }
0x30: {  	[tilespmem:s21+$0x80] =	vst v8;
	v8 =	vperm.xlane v3, v6  }
0x31: {  	v9 =	vld [tilespmem:s23+$0x10];
	[tilespmem:s21+$0x210] =	vst v7;
	v7 =	vperm.xlane v1, v6  }
0x32: {  	v10 =	vshrl.u32 v11, $0x1B;
	[tilespmem:s21+$0x290] =	vst v8;
	v6 =	vperm.xlane v4, v6  }
0x33: {  	v8 =	vperm.xlane v1, v5;
	v10 =	vand.u32 $0x10, v10;
	[tilespmem:s21+$0x310] =	vst v7  }
0x34: {  	v5 =	vperm.xlane v4, v5;
	v7 =	vadd.s32 v11, v10;
	[tilespmem:s21+$0x390] =	vst v6  }
0x35: {  	[tilespmem:s21+$0x100] =	vst v8;
	v6 =	vperm.xlane v2, v7;
	v8 =	vld [tilespmem:s25+$0x20]  }
0x36: {  	v11 =	vshrl.u32 v9, $0x1B;
	[tilespmem:s21+$0x180] =	vst v5;
	v10 =	vperm.xlane v3, v7  }
0x37: {  	v5 =	vperm.xlane v1, v7;
	v11 =	vand.u32 $0x10, v11;
	[tilespmem:s21+$0xFFFFFC10] =	vst v6  }
0x38: {  	v6 =	vperm.xlane v4, v7;
	v7 =	vadd.s32 v9, v11;
	[tilespmem:s21+$0xFFFFFC90] =	vst v10  }
0x39: {  	v10 =	vld [tilespmem:s22+$0x10];
	[tilespmem:s21+$0xFFFFFD10] =	vst v5;
	v9 =	vperm.xlane v2, v7  }
0x3a: {  	v5 =	vperm.xlane v3, v7;
	[tilespmem:s21+$0xFFFFFD90] =	vst v6;
	v6 =	vshrl.u32 v8, $0x1B  }
0x3b: {  	v11 =	vperm.xlane v1, v7;
	[tilespmem:s21+$0xFFFFFE10] =	vst v9;
	v6 =	vand.u32 $0x10, v6  }
0x3c: {  	v7 =	vperm.xlane v4, v7;
	[tilespmem:s21+$0xFFFFFE90] =	vst v5;
	v5 =	vadd.s32 v8, v6  }
0x3d: {  	[tilespmem:s21+$0xFFFFFF10] =	vst v11;
	v6 =	vld [tilespmem:s24+$0x20];
	v8 =	vperm.xlane v2, v5  }
0x3e: {  	[tilespmem:s21+$0xFFFFFF90] =	vst v7;
	v9 =	vshrl.u32 v10, $0x1B;
	v7 =	vperm.xlane v3, v5  }
0x3f: {  	v9 =	vand.u32 $0x10, v9;
	[tilespmem:s21+$0x220] =	vst v8;
	v8 =	vperm.xlane v1, v5  }
0x40: {  	v9 =	vadd.s32 v10, v9;
	[tilespmem:s21+$0x2A0] =	vst v7;
	v5 =	vperm.xlane v4, v5  }
0x41: {  	v7 =	vld [tilespmem:s23+$0x20];
	v10 =	vperm.xlane v2, v9;
	[tilespmem:s21+$0x320] =	vst v8  }
0x42: {  	v11 =	vperm.xlane v3, v9;
	v8 =	vshrl.u32 v6, $0x1B;
	[tilespmem:s21+$0x3A0] =	vst v5  }
0x43: {  	[tilespmem:s21+$0x10] =	vst v10;
	v5 =	vand.u32 $0x10, v8;
	v8 =	vperm.xlane v1, v9;
	v10 =	vld [tilespmem:s25+$0x30]  }
0x44: {  	[tilespmem:s21+$0x90] =	vst v11;
	v9 =	vperm.xlane v4, v9;
	v5 =	vadd.s32 v6, v5  }
0x45: {  	v6 =	vperm.xlane v2, v5;
	[tilespmem:s21+$0x110] =	vst v8  }
0x46: {  	v8 =	vperm.xlane v3, v5;
	v11 =	vshrl.u32 v7, $0x1B;
	[tilespmem:s21+$0x190] =	vst v9  }
0x47: {  	v9 =	vperm.xlane v1, v5;
	v11 =	vand.u32 $0x10, v11;
	[tilespmem:s21+$0xFFFFFC20] =	vst v6  }
0x48: {  	v5 =	vperm.xlane v4, v5;
	v6 =	vadd.s32 v7, v11;
	[tilespmem:s21+$0xFFFFFCA0] =	vst v8;
	v7 =	vshrl.u32 v10, $0x1B  }
0x49: {  	v11 =	vld [tilespmem:s22+$0x20];
	[tilespmem:s21+$0xFFFFFD20] =	vst v9;
	v8 =	vperm.xlane v2, v6;
	v7 =	vand.u32 $0x10, v7  }
0x4a: {  	[tilespmem:s21+$0xFFFFFDA0] =	vst v5;
	v9 =	vperm.xlane v3, v6;
	v5 =	vadd.s32 v10, v7  }
0x4b: {  	[tilespmem:s21+$0xFFFFFE20] =	vst v8;
	v7 =	vperm.xlane v2, v5  }
0x4c: {  	[tilespmem:s21+$0xFFFFFEA0] =	vst v9;
	v8 =	vperm.xlane v3, v5  }
0x4d: {  	v9 =	vld [tilespmem:s24+$0x30];
	[tilespmem:s21+$0x230] =	vst v7;
	v7 =	vperm.xlane v1, v5  }
0x4e: {  	v10 =	vshrl.u32 v11, $0x1B;
	[tilespmem:s21+$0x2B0] =	vst v8;
	v5 =	vperm.xlane v4, v5  }
0x4f: {  	v8 =	vperm.xlane v1, v6;
	v10 =	vand.u32 $0x10, v10;
	[tilespmem:s21+$0x330] =	vst v7  }
0x50: {  	v6 =	vperm.xlane v4, v6;
	v7 =	vadd.s32 v11, v10;
	[tilespmem:s21+$0x3B0] =	vst v5  }
0x51: {  	[tilespmem:s21+$0xFFFFFF20] =	vst v8;
	v5 =	vperm.xlane v2, v7;
	v8 =	vld [tilespmem:s25+$0x40]  }
0x52: {  	v11 =	vshrl.u32 v9, $0x1B;
	[tilespmem:s21+$0xFFFFFFA0] =	vst v6;
	v10 =	vperm.xlane v3, v7  }
0x53: {  	v6 =	vperm.xlane v1, v7;
	v11 =	vand.u32 $0x10, v11;
	[tilespmem:s21+$0x20] =	vst v5  }
0x54: {  	v5 =	vperm.xlane v4, v7;
	v7 =	vadd.s32 v9, v11;
	[tilespmem:s21+$0xA0] =	vst v10  }
0x55: {  	v10 =	vld [tilespmem:s23+$0x30];
	[tilespmem:s21+$0x120] =	vst v6;
	v9 =	vperm.xlane v2, v7  }
0x56: {  	v6 =	vperm.xlane v3, v7;
	[tilespmem:s21+$0x1A0] =	vst v5;
	v5 =	vshrl.u32 v8, $0x1B  }
0x57: {  	v11 =	vperm.xlane v1, v7;
	[tilespmem:s21+$0xFFFFFC30] =	vst v9;
	v5 =	vand.u32 $0x10, v5  }
0x58: {  	v7 =	vperm.xlane v4, v7;
	[tilespmem:s21+$0xFFFFFCB0] =	vst v6;
	v5 =	vadd.s32 v8, v5  }
0x59: {  	v6 =	vld [tilespmem:s22+$0x30];
	[tilespmem:s21+$0xFFFFFD30] =	vst v11;
	v8 =	vperm.xlane v2, v5  }
0x5a: {  	[tilespmem:s21+$0xFFFFFDB0] =	vst v7;
	v9 =	vshrl.u32 v10, $0x1B;
	v7 =	vperm.xlane v3, v5  }
0x5b: {  	v9 =	vand.u32 $0x10, v9;
	[tilespmem:s21+$0x240] =	vst v8;
	v8 =	vperm.xlane v1, v5  }
0x5c: {  	v9 =	vadd.s32 v10, v9;
	[tilespmem:s21+$0x2C0] =	vst v7;
	v5 =	vperm.xlane v4, v5  }
0x5d: {  	v7 =	vld [tilespmem:s24+$0x40];
	v10 =	vperm.xlane v2, v9;
	[tilespmem:s21+$0x340] =	vst v8  }
0x5e: {  	v11 =	vshrl.u32 v6, $0x1B;
	v8 =	vperm.xlane v3, v9;
	[tilespmem:s21+$0x3C0] =	vst v5  }
0x5f: {  	v11 =	vand.u32 $0x10, v11;
	v5 =	vperm.xlane v1, v9;
	[tilespmem:s21+$0xFFFFFE30] =	vst v10;
	v10 =	vld [tilespmem:s25+$0x50]  }
0x60: {  	v9 =	vperm.xlane v4, v9;
	v6 =	vadd.s32 v6, v11;
	[tilespmem:s21+$0xFFFFFEB0] =	vst v8  }
0x61: {  	v8 =	vperm.xlane v2, v6;
	[tilespmem:s21+$0xFFFFFF30] =	vst v5  }
0x62: {  	v5 =	vperm.xlane v3, v6;
	[tilespmem:s21+$0xFFFFFFB0] =	vst v9;
	v11 =	vshrl.u32 v7, $0x1B  }
0x63: {  	v9 =	vperm.xlane v1, v6;
	v11 =	vand.u32 $0x10, v11;
	[tilespmem:s21+$0x30] =	vst v8  }
0x64: {  	v6 =	vperm.xlane v4, v6;
	[tilespmem:s21+$0xB0] =	vst v5;
	v7 =	vadd.s32 v7, v11;
	v5 =	vshrl.u32 v10, $0x1B  }
0x65: {  	[tilespmem:s21+$0x130] =	vst v9;
	v11 =	vld [tilespmem:s23+$0x40];
	v8 =	vperm.xlane v2, v7;
	v5 =	vand.u32 $0x10, v5  }
0x66: {  	[tilespmem:s21+$0x1B0] =	vst v6;
	v9 =	vperm.xlane v3, v7;
	v5 =	vadd.s32 v10, v5  }
0x67: {  	[tilespmem:s21+$0xFFFFFC40] =	vst v8;
	v6 =	vperm.xlane v2, v5  }
0x68: {  	[tilespmem:s21+$0xFFFFFCC0] =	vst v9;
	v8 =	vperm.xlane v3, v5  }
0x69: {  	v9 =	vld [tilespmem:s22+$0x40];
	[tilespmem:s21+$0x250] =	vst v6;
	v6 =	vperm.xlane v1, v5  }
0x6a: {  	v10 =	vshrl.u32 v11, $0x1B;
	[tilespmem:s21+$0x2D0] =	vst v8;
	v5 =	vperm.xlane v4, v5  }
0x6b: {  	v8 =	vperm.xlane v1, v7;
	v10 =	vand.u32 $0x10, v10;
	[tilespmem:s21+$0x350] =	vst v6  }
0x6c: {  	v6 =	vperm.xlane v4, v7;
	v7 =	vadd.s32 v11, v10;
	[tilespmem:s21+$0x3D0] =	vst v5  }
0x6d: {  	[tilespmem:s21+$0xFFFFFD40] =	vst v8;
	v5 =	vperm.xlane v2, v7;
	v8 =	vld [tilespmem:s25+$0x60]  }
0x6e: {  	v11 =	vshrl.u32 v9, $0x1B;
	v10 =	vperm.xlane v3, v7;
	[tilespmem:s21+$0xFFFFFDC0] =	vst v6  }
0x6f: {  	v11 =	vand.u32 $0x10, v11;
	v6 =	vperm.xlane v1, v7;
	[tilespmem:s21+$0xFFFFFE40] =	vst v5  }
0x70: {  	v5 =	vperm.xlane v4, v7;
	v7 =	vadd.s32 v9, v11;
	[tilespmem:s21+$0xFFFFFEC0] =	vst v10  }
0x71: {  	v9 =	vld [tilespmem:s24+$0x50];
	v10 =	vperm.xlane v2, v7;
	[tilespmem:s21+$0xFFFFFF40] =	vst v6  }
0x72: {  	v6 =	vperm.xlane v3, v7;
	[tilespmem:s21+$0xFFFFFFC0] =	vst v5;
	v5 =	vshrl.u32 v8, $0x1B  }
0x73: {  	v11 =	vperm.xlane v1, v7;
	[tilespmem:s21+$0x40] =	vst v10;
	v5 =	vand.u32 $0x10, v5  }
0x74: {  	v7 =	vperm.xlane v4, v7;
	[tilespmem:s21+$0xC0] =	vst v6;
	v5 =	vadd.s32 v8, v5  }
0x75: {  	[tilespmem:s21+$0x140] =	vst v11;
	v8 =	vperm.xlane v2, v5  }
0x76: {  	v6 =	vld [tilespmem:s23+$0x50];
	[tilespmem:s21+$0x1C0] =	vst v7;
	v10 =	vshrl.u32 v9, $0x1B;
	v7 =	vperm.xlane v3, v5  }
0x77: {  	v10 =	vand.u32 $0x10, v10;
	[tilespmem:s21+$0x260] =	vst v8;
	v8 =	vperm.xlane v1, v5  }
0x78: {  	v9 =	vadd.s32 v9, v10;
	[tilespmem:s21+$0x2E0] =	vst v7;
	v5 =	vperm.xlane v4, v5  }
0x79: {  	v7 =	vperm.xlane v2, v9;
	[tilespmem:s21+$0x360] =	vst v8  }
0x7a: {  	v10 =	vperm.xlane v3, v9;
	v8 =	vld [tilespmem:s22+$0x50];
	[tilespmem:s21+$0x3E0] =	vst v5  }
0x7b: {  	v11 =	vshrl.u32 v6, $0x1B;
	v5 =	vperm.xlane v1, v9;
	[tilespmem:s21+$0xFFFFFC50] =	vst v7  }
0x7c: {  	v11 =	vand.u32 $0x10, v11;
	v7 =	vperm.xlane v4, v9;
	[tilespmem:s21+$0xFFFFFCD0] =	vst v10  }
0x7d: {  	v6 =	vadd.s32 v6, v11;
	[tilespmem:s21+$0xFFFFFD50] =	vst v5  }
0x7e: {  	v9 =	vperm.xlane v2, v6;
	v10 =	vld [tilespmem:s25+$0x70];
	[tilespmem:s21+$0xFFFFFDD0] =	vst v7  }
0x7f: {  	v5 =	vperm.xlane v3, v6;
	v12 =	vld [tilespmem:s24+$0x60];
	v11 =	vshrl.u32 v8, $0x1B  }
0x80: {  	v7 =	vperm.xlane v1, v6;
	[tilespmem:s21+$0xFFFFFE50] =	vst v9;
	v9 =	vand.u32 $0x10, v11  }
0x81: {  	v6 =	vperm.xlane v4, v6;
	[tilespmem:s21+$0xFFFFFED0] =	vst v5;
	v5 =	vadd.s32 v8, v9  }
0x82: {  	[tilespmem:s21+$0xFFFFFF50] =	vst v7;
	v7 =	vperm.xlane v2, v5  }
0x83: {  	[tilespmem:s21+$0xFFFFFFD0] =	vst v6;
	v8 =	vshrl.u32 v10, $0x1B;
	v6 =	vperm.xlane v3, v5  }
0x84: {  	v9 =	vld [tilespmem:s23+$0x60];
	v11 =	vperm.xlane v1, v5;
	v8 =	vand.u32 $0x10, v8;
	[tilespmem:s21+$0x50] =	vst v7;
	v7 =	vshrl.u32 v12, $0x1B  }
0x85: {  	v5 =	vperm.xlane v4, v5;
	v8 =	vadd.s32 v10, v8;
	[tilespmem:s21+$0xD0] =	vst v6;
	v6 =	vand.u32 $0x10, v7  }
0x86: {  	[tilespmem:s21+$0x150] =	vst v11;
	v7 =	vperm.xlane v4, v8;
	v6 =	vadd.s32 v12, v6  }
0x87: {  	[tilespmem:s21+$0x1D0] =	vst v5;
	v10 =	vperm.xlane v2, v6  }
0x88: {  	[tilespmem:s21+$0x3F0] =	vst v7;
	v5 =	vperm.xlane v3, v6  }
0x89: {  	v11 =	vld [tilespmem:s22+$0x60];
	v7 =	vshrl.u32 v9, $0x1B;
	v12 =	vperm.xlane v1, v6;
	[tilespmem:s21+$0xFFFFFC60] =	vst v10  }
0x8a: {  	v6 =	vperm.xlane v4, v6;
	v7 =	vand.u32 $0x10, v7;
	[tilespmem:s21+$0xFFFFFCE0] =	vst v5  }
0x8b: {  	v5 =	vadd.s32 v9, v7;
	[tilespmem:s21+$0xFFFFFD60] =	vst v12  }
0x8c: {  	[tilespmem:s21+$0xFFFFFDE0] =	vst v6;
	v7 =	vperm.xlane v2, v5  }
0x8d: {  	v9 =	vperm.xlane v3, v5;
	v10 =	vld [tilespmem:s24+$0x70]  }
0x8e: {  	v6 =	vperm.xlane v1, v5;
	[tilespmem:s21+$0xFFFFFE60] =	vst v7;
	v7 =	vshrl.u32 v11, $0x1B  }
0x8f: {  	v5 =	vperm.xlane v4, v5;
	[tilespmem:s21+$0xFFFFFEE0] =	vst v9;
	v7 =	vand.u32 $0x10, v7  }
0x90: {  	v9 =	vperm.xlane v2, v8;
	[tilespmem:s21+$0xFFFFFF60] =	vst v6;
	v6 =	vadd.s32 v11, v7  }
0x91: {  	[tilespmem:s21+$0xFFFFFFE0] =	vst v5;
	v5 =	vperm.xlane v2, v6  }
0x92: {  	[tilespmem:s21+$0x270] =	vst v9;
	v9 =	vshrl.u32 v10, $0x1B  }
0x93: {  	[tilespmem:s21+$0x60] =	vst v5;
	v5 =	vand.u32 $0x10, v9  }
0x94: {  	v7 =	vperm.xlane v3, v6;
	v9 =	vadd.s32 v10, v5;
	v5 =	vld [tilespmem:s23+$0x70]  }
0x95: {  	v11 =	vperm.xlane v1, v6  }
0x96: {  	v63 =	vperm.xlane v4, v6;
	[tilespmem:s21+$0xE0] =	vst v7  }
0x97: {  	v6 =	vperm.xlane v1, v8;
	v7 =	vperm.xlane v3, v8;
	[tilespmem:s21+$0x160] =	vst v11  }
0x98: {  	s25 =	simm.s32 $0x200;
	s24 =	simm.s32 $0x0;
	[tilespmem:s21+$0x1E0] =	vst v63;
	s23 =	simm.s32 $0x6820;
	v10 =	vperm.xlane v2, v9;
	v8 =	vperm.xlane v3, v9  }
.LBB2_2:
0x99: {  	s26 =	sand.u32 $0x3C00, s25;
	s28 =	sadd.s32 $0x80, s25;
	s29 =	sadd.s32 $0x180, s25;
	v11 =	vperm.xlane v1, v9;
	v9 =	vperm.xlane v4, v9;
	v12 =	vshrl.u32 v5, $0x1B;
	v13 =	vld [tilespmem:s22+$0x70];
	[tilespmem:s21+$0x2F0] =	vst v7  }
0x9a: {  	s22 =	sadd.s32 $0x100, s25;
	s30 =	sor.u32 $0x20, s26;
	s26 =	sand.u32 $0x380, s29;
	[tilespmem:s21+$0xFFFFFC70] =	vst v10;
	v7 =	vand.u32 $0x10, v12  }
0x9b: {  	s28 =	sand.u32 $0x280, s28;
	s22 =	sand.u32 $0x300, s22;
	s29 =	sor.u32 s26, s30;
	[tilespmem:s21+$0xFFFFFCF0] =	vst v8;
	v5 =	vadd.s32 v5, v7  }
0x9c: {  	s31 =	sand.u32 $0x200, s25;
	s26 =	sor.u32 s28, s30;
	s22 =	sor.u32 s22, s30;
	v7 =	vld [tilespmem:s29+$0x0];
	[tilespmem:s21+$0xFFFFFD70] =	vst v11;
	v8 =	vperm.xlane v2, v5;
	v10 =	vperm.xlane v3, v5  }
0x9d: {  	s28 =	sor.u32 s31, s30;
	v11 =	vld [tilespmem:s26+$0x0];
	[tilespmem:s21+$0xFFFFFDF0] =	vst v9;
	v9 =	vperm.xlane v1, v5;
	v5 =	vperm.xlane v4, v5  }
0x9e: {  	v12 =	vld [tilespmem:s28+$0x0];
	[tilespmem:s21+$0xFFFFFE70] =	vst v8;
	v8 =	vshrl.u32 v13, $0x1B  }
0x9f: {  	v14 =	vld [tilespmem:s22+$0x0];
	[tilespmem:s21+$0xFFFFFEF0] =	vst v10;
	v8 =	vand.u32 $0x10, v8  }
0xa0: {  	[tilespmem:s21+$0xFFFFFF70] =	vst v9;
	v8 =	vadd.s32 v13, v8  }
0xa1: {  	v9 =	vshrl.u32 v7, $0x1B;
	[tilespmem:s21+$0xFFFFFFF0] =	vst v5;
	v5 =	vperm.xlane v2, v8;
	v10 =	vperm.xlane v3, v8  }
0xa2: {  	v15 =	vperm.xlane v1, v8;
	v13 =	vshrl.u32 v11, $0x1B;
	v9 =	vand.u32 $0x10, v9;
	[tilespmem:s21+$0x370] =	vst v6  }
0xa3: {  	v6 =	vshrl.u32 v12, $0x1B;
	v13 =	vand.u32 $0x10, v13;
	v7 =	vadd.s32 v7, v9;
	[tilespmem:s21+$0x70] =	vst v5  }
0xa4: {  	v5 =	vand.u32 $0x10, v6;
	v6 =	vshrl.u32 v14, $0x1B;
	v9 =	vperm.xlane v2, v7;
	[tilespmem:s21+$0xF0] =	vst v10  }
0xa5: {  	v10 =	vperm.xlane v3, v7;
	s21 =	sadd.s32 $0x800, s21;
	v5 =	vadd.s32 v12, v5;
	v6 =	vand.u32 $0x10, v6;
	[tilespmem:s23+$0x170] =	vst v15  }
0xa6: {  	v11 =	vadd.s32 v11, v13;
	v6 =	vadd.s32 v14, v6;
	[tilespmem:s21+$0x200] =	vst v9;
	v9 =	vperm.xlane v1, v7  }
0xa7: {  	v12 =	vperm.xlane v2, v5;
	v7 =	vperm.xlane v4, v7;
	[tilespmem:s21+$0x280] =	vst v10  }
0xa8: {  	v13 =	vperm.xlane v1, v5;
	v10 =	vperm.xlane v3, v5;
	[tilespmem:s21+$0x300] =	vst v9  }
0xa9: {  	v5 =	vperm.xlane v4, v5;
	v9 =	vperm.xlane v2, v11;
	[tilespmem:s21+$0x380] =	vst v7  }
0xaa: {  	v7 =	vperm.xlane v3, v11;
	[tilespmem:s21+$0xFFFFFC00] =	vst v12;
	v12 =	vperm.xlane v1, v11;
	v14 =	vld [tilespmem:s29+$0x10]  }
0xab: {  	[tilespmem:s21+$0xFFFFFC80] =	vst v10;
	v10 =	vperm.xlane v4, v11;
	v11 =	vperm.xlane v2, v6  }
0xac: {  	v15 =	vperm.xlane v1, v6;
	[tilespmem:s21+$0xFFFFFD00] =	vst v13;
	v13 =	vperm.xlane v3, v6  }
0xad: {  	v6 =	vperm.xlane v4, v6;
	[tilespmem:s21+$0xFFFFFD80] =	vst v5;
	v5 =	vperm.xlane v4, v8  }
0xae: {  	s24 =	sadd.s32 $0x4, s24;
	v8 =	vld [tilespmem:s28+$0x10];
	[tilespmem:s21+$0xFFFFFE00] =	vst v9  }
0xaf: {  	p0 =	slt.u32 s24, $0x60;
	[tilespmem:s21+$0xFFFFFE80] =	vst v7;
	v7 =	vshrl.u32 v14, $0x1B  }
0xb0: {  	[tilespmem:s21+$0xFFFFFF00] =	vst v12;
	v7 =	vand.u32 $0x10, v7  }
0xb1: {  	[tilespmem:s21+$0xFFFFFF80] =	vst v10;
	v7 =	vadd.s32 v14, v7  }
0xb2: {  	v9 =	vld [tilespmem:s26+$0x10];
	[tilespmem:s21+$0x0] =	vst v11;
	v10 =	vperm.xlane v2, v7  }
0xb3: {  	v12 =	vperm.xlane v3, v7;
	v11 =	vshrl.u32 v8, $0x1B;
	[tilespmem:s21+$0x80] =	vst v13  }
0xb4: {  	v11 =	vand.u32 $0x10, v11;
	[tilespmem:s21+$0x210] =	vst v10;
	v10 =	vperm.xlane v1, v7  }
0xb5: {  	v7 =	vperm.xlane v4, v7;
	v8 =	vadd.s32 v8, v11;
	[tilespmem:s21+$0x290] =	vst v12  }
0xb6: {  	v11 =	vperm.xlane v2, v8;
	v12 =	vperm.xlane v3, v8;
	[tilespmem:s21+$0x310] =	vst v10  }
0xb7: {  	v10 =	vperm.xlane v1, v8;
	v8 =	vperm.xlane v4, v8;
	v13 =	vshrl.u32 v9, $0x1B;
	[tilespmem:s21+$0x390] =	vst v7  }
0xb8: {  	v7 =	vand.u32 $0x10, v13;
	[tilespmem:s21+$0x100] =	vst v15;
	v13 =	vld [tilespmem:s29+$0x20]  }
0xb9: {  	v7 =	vadd.s32 v9, v7;
	[tilespmem:s21+$0x180] =	vst v6  }
0xba: {  	[tilespmem:s21+$0xFFFFFC10] =	vst v11;
	v6 =	vperm.xlane v2, v7;
	v9 =	vperm.xlane v3, v7;
	v11 =	vld [tilespmem:s22+$0x10]  }
0xbb: {  	[tilespmem:s21+$0xFFFFFC90] =	vst v12;
	v12 =	vperm.xlane v1, v7;
	v7 =	vperm.xlane v4, v7  }
0xbc: {  	[tilespmem:s21+$0xFFFFFD10] =	vst v10  }
0xbd: {  	[tilespmem:s21+$0xFFFFFD90] =	vst v8;
	v8 =	vshrl.u32 v13, $0x1B  }
0xbe: {  	v10 =	vld [tilespmem:s28+$0x20];
	[tilespmem:s21+$0xFFFFFE10] =	vst v6;
	v6 =	vand.u32 $0x10, v8  }
0xbf: {  	[tilespmem:s21+$0xFFFFFE90] =	vst v9;
	v8 =	vshrl.u32 v11, $0x1B;
	v6 =	vadd.s32 v13, v6  }
0xc0: {  	[tilespmem:s21+$0xFFFFFF10] =	vst v12;
	v8 =	vand.u32 $0x10, v8;
	v9 =	vperm.xlane v2, v6  }
0xc1: {  	[tilespmem:s21+$0xFFFFFF90] =	vst v7;
	v7 =	vadd.s32 v11, v8;
	v8 =	vperm.xlane v3, v6  }
0xc2: {  	v11 =	vld [tilespmem:s26+$0x20];
	v12 =	vperm.xlane v2, v7;
	[tilespmem:s21+$0x220] =	vst v9;
	v9 =	vperm.xlane v1, v6  }
0xc3: {  	v14 =	vperm.xlane v3, v7;
	v6 =	vperm.xlane v4, v6;
	v13 =	vshrl.u32 v10, $0x1B;
	[tilespmem:s21+$0x2A0] =	vst v8  }
0xc4: {  	v8 =	vand.u32 $0x10, v13;
	v13 =	vperm.xlane v1, v7;
	v7 =	vperm.xlane v4, v7;
	[tilespmem:s21+$0x320] =	vst v9  }
0xc5: {  	v8 =	vadd.s32 v10, v8;
	[tilespmem:s21+$0x3A0] =	vst v6  }
0xc6: {  	v6 =	vperm.xlane v2, v8;
	v9 =	vperm.xlane v3, v8;
	[tilespmem:s21+$0x10] =	vst v12;
	v10 =	vld [tilespmem:s29+$0x30]  }
0xc7: {  	v12 =	vperm.xlane v1, v8;
	v8 =	vperm.xlane v4, v8;
	v15 =	vshrl.u32 v11, $0x1B;
	[tilespmem:s21+$0x90] =	vst v14  }
0xc8: {  	v14 =	vand.u32 $0x10, v15;
	[tilespmem:s21+$0x110] =	vst v13  }
0xc9: {  	v11 =	vadd.s32 v11, v14;
	[tilespmem:s21+$0x190] =	vst v7  }
0xca: {  	[tilespmem:s21+$0xFFFFFC20] =	vst v6;
	v6 =	vperm.xlane v2, v11;
	v7 =	vperm.xlane v3, v11;
	v13 =	vld [tilespmem:s22+$0x20]  }
0xcb: {  	[tilespmem:s21+$0xFFFFFCA0] =	vst v9;
	v9 =	vperm.xlane v1, v11;
	v11 =	vperm.xlane v4, v11;
	v14 =	vshrl.u32 v10, $0x1B  }
0xcc: {  	[tilespmem:s21+$0xFFFFFD20] =	vst v12;
	v12 =	vand.u32 $0x10, v14  }
0xcd: {  	[tilespmem:s21+$0xFFFFFDA0] =	vst v8;
	v8 =	vadd.s32 v10, v12  }
0xce: {  	v10 =	vld [tilespmem:s28+$0x30];
	[tilespmem:s21+$0xFFFFFE20] =	vst v6;
	v6 =	vperm.xlane v2, v8  }
0xcf: {  	v12 =	vperm.xlane v3, v8;
	[tilespmem:s21+$0xFFFFFEA0] =	vst v7;
	v7 =	vshrl.u32 v13, $0x1B  }
0xd0: {  	v7 =	vand.u32 $0x10, v7;
	[tilespmem:s21+$0x230] =	vst v6;
	v6 =	vperm.xlane v1, v8  }
0xd1: {  	v8 =	vperm.xlane v4, v8;
	v7 =	vadd.s32 v13, v7;
	[tilespmem:s21+$0x2B0] =	vst v12  }
0xd2: {  	v12 =	vperm.xlane v2, v7;
	v13 =	vperm.xlane v3, v7;
	[tilespmem:s21+$0x330] =	vst v6  }
0xd3: {  	v14 =	vperm.xlane v1, v7;
	v7 =	vperm.xlane v4, v7;
	v6 =	vshrl.u32 v10, $0x1B;
	[tilespmem:s21+$0x3B0] =	vst v8  }
0xd4: {  	v6 =	vand.u32 $0x10, v6;
	[tilespmem:s21+$0xFFFFFF20] =	vst v9;
	v8 =	vld [tilespmem:s29+$0x40]  }
0xd5: {  	v6 =	vadd.s32 v10, v6;
	[tilespmem:s21+$0xFFFFFFA0] =	vst v11  }
0xd6: {  	v9 =	vperm.xlane v2, v6;
	v10 =	vperm.xlane v3, v6;
	v11 =	vld [tilespmem:s26+$0x30];
	[tilespmem:s21+$0x20] =	vst v12  }
0xd7: {  	v12 =	vperm.xlane v1, v6;
	v6 =	vperm.xlane v4, v6;
	[tilespmem:s21+$0xA0] =	vst v13  }
0xd8: {  	[tilespmem:s21+$0x120] =	vst v14  }
0xd9: {  	[tilespmem:s21+$0x1A0] =	vst v7;
	v7 =	vshrl.u32 v8, $0x1B  }
0xda: {  	[tilespmem:s21+$0xFFFFFC30] =	vst v9;
	v9 =	vld [tilespmem:s22+$0x30];
	v7 =	vand.u32 $0x10, v7  }
0xdb: {  	[tilespmem:s21+$0xFFFFFCB0] =	vst v10;
	v10 =	vshrl.u32 v11, $0x1B;
	v7 =	vadd.s32 v8, v7  }
0xdc: {  	[tilespmem:s21+$0xFFFFFD30] =	vst v12;
	v8 =	vand.u32 $0x10, v10;
	v10 =	vperm.xlane v2, v7  }
0xdd: {  	[tilespmem:s21+$0xFFFFFDB0] =	vst v6;
	v6 =	vadd.s32 v11, v8;
	v8 =	vperm.xlane v3, v7  }
0xde: {  	v11 =	vld [tilespmem:s28+$0x40];
	v12 =	vperm.xlane v2, v6;
	[tilespmem:s21+$0x240] =	vst v10;
	v10 =	vperm.xlane v1, v7  }
0xdf: {  	v13 =	vperm.xlane v3, v6;
	v7 =	vperm.xlane v4, v7;
	v14 =	vshrl.u32 v9, $0x1B;
	[tilespmem:s21+$0x2C0] =	vst v8  }
0xe0: {  	v8 =	vperm.xlane v1, v6;
	v6 =	vperm.xlane v4, v6;
	v14 =	vand.u32 $0x10, v14;
	[tilespmem:s21+$0x340] =	vst v10  }
0xe1: {  	v9 =	vadd.s32 v9, v14;
	[tilespmem:s21+$0x3C0] =	vst v7  }
0xe2: {  	[tilespmem:s21+$0xFFFFFE30] =	vst v12;
	v7 =	vperm.xlane v2, v9;
	v10 =	vperm.xlane v3, v9;
	v12 =	vld [tilespmem:s29+$0x50]  }
0xe3: {  	v14 =	vshrl.u32 v11, $0x1B;
	[tilespmem:s21+$0xFFFFFEB0] =	vst v13;
	v13 =	vperm.xlane v1, v9;
	v9 =	vperm.xlane v4, v9  }
0xe4: {  	v14 =	vand.u32 $0x10, v14;
	[tilespmem:s21+$0xFFFFFF30] =	vst v8  }
0xe5: {  	v8 =	vadd.s32 v11, v14;
	[tilespmem:s21+$0xFFFFFFB0] =	vst v6  }
0xe6: {  	v6 =	vperm.xlane v2, v8;
	v11 =	vperm.xlane v3, v8;
	v14 =	vld [tilespmem:s26+$0x40];
	[tilespmem:s21+$0x30] =	vst v7  }
0xe7: {  	v7 =	vperm.xlane v1, v8;
	v8 =	vperm.xlane v4, v8;
	[tilespmem:s21+$0xB0] =	vst v10;
	v10 =	vshrl.u32 v12, $0x1B  }
0xe8: {  	[tilespmem:s21+$0x130] =	vst v13;
	v10 =	vand.u32 $0x10, v10  }
0xe9: {  	[tilespmem:s21+$0x1B0] =	vst v9;
	v9 =	vadd.s32 v12, v10  }
0xea: {  	[tilespmem:s21+$0xFFFFFC40] =	vst v6;
	v6 =	vld [tilespmem:s22+$0x40];
	v10 =	vperm.xlane v2, v9  }
0xeb: {  	v12 =	vperm.xlane v3, v9;
	[tilespmem:s21+$0xFFFFFCC0] =	vst v11;
	v11 =	vshrl.u32 v14, $0x1B  }
0xec: {  	v11 =	vand.u32 $0x10, v11;
	[tilespmem:s21+$0x250] =	vst v10;
	v10 =	vperm.xlane v1, v9  }
0xed: {  	v9 =	vperm.xlane v4, v9;
	v11 =	vadd.s32 v14, v11;
	[tilespmem:s21+$0x2D0] =	vst v12  }
0xee: {  	v12 =	vperm.xlane v2, v11;
	v13 =	vperm.xlane v3, v11;
	[tilespmem:s21+$0x350] =	vst v10  }
0xef: {  	v10 =	vperm.xlane v1, v11;
	v11 =	vperm.xlane v4, v11;
	v14 =	vshrl.u32 v6, $0x1B;
	[tilespmem:s21+$0x3D0] =	vst v9  }
0xf0: {  	[tilespmem:s21+$0xFFFFFD40] =	vst v7;
	v7 =	vand.u32 $0x10, v14;
	v9 =	vld [tilespmem:s29+$0x60]  }
0xf1: {  	[tilespmem:s21+$0xFFFFFDC0] =	vst v8;
	v6 =	vadd.s32 v6, v7  }
0xf2: {  	v7 =	vld [tilespmem:s28+$0x50];
	[tilespmem:s21+$0xFFFFFE40] =	vst v12;
	v8 =	vperm.xlane v2, v6;
	v12 =	vperm.xlane v3, v6  }
0xf3: {  	[tilespmem:s21+$0xFFFFFEC0] =	vst v13;
	v13 =	vperm.xlane v1, v6;
	v6 =	vperm.xlane v4, v6  }
0xf4: {  	[tilespmem:s21+$0xFFFFFF40] =	vst v10  }
0xf5: {  	[tilespmem:s21+$0xFFFFFFC0] =	vst v11;
	v10 =	vshrl.u32 v9, $0x1B  }
0xf6: {  	v11 =	vld [tilespmem:s26+$0x50];
	[tilespmem:s21+$0x40] =	vst v8;
	v8 =	vand.u32 $0x10, v10  }
0xf7: {  	v10 =	vshrl.u32 v7, $0x1B;
	[tilespmem:s21+$0xC0] =	vst v12;
	v8 =	vadd.s32 v9, v8  }
0xf8: {  	v9 =	vand.u32 $0x10, v10;
	[tilespmem:s21+$0x140] =	vst v13;
	v10 =	vperm.xlane v2, v8  }
0xf9: {  	v7 =	vadd.s32 v7, v9;
	[tilespmem:s21+$0x1C0] =	vst v6;
	v6 =	vperm.xlane v3, v8  }
0xfa: {  	v9 =	vperm.xlane v2, v7;
	v12 =	vld [tilespmem:s22+$0x50];
	[tilespmem:s21+$0x260] =	vst v10;
	v10 =	vperm.xlane v1, v8  }
0xfb: {  	v13 =	vperm.xlane v3, v7;
	v14 =	vshrl.u32 v11, $0x1B;
	[tilespmem:s21+$0x2E0] =	vst v6;
	v6 =	vperm.xlane v4, v8  }
0xfc: {  	v8 =	vperm.xlane v1, v7;
	v7 =	vperm.xlane v4, v7;
	v14 =	vand.u32 $0x10, v14;
	[tilespmem:s21+$0x360] =	vst v10  }
0xfd: {  	v10 =	vadd.s32 v11, v14;
	[tilespmem:s21+$0x3E0] =	vst v6  }
0xfe: {  	[tilespmem:s21+$0xFFFFFC50] =	vst v9;
	v6 =	vperm.xlane v2, v10;
	v9 =	vperm.xlane v3, v10;
	v11 =	vld [tilespmem:s29+$0x70]  }
0xff: {  	[tilespmem:s21+$0xFFFFFCD0] =	vst v13;
	v13 =	vperm.xlane v1, v10;
	v10 =	vperm.xlane v4, v10;
	v14 =	vshrl.u32 v12, $0x1B  }
0x100: {  	[tilespmem:s21+$0xFFFFFD50] =	vst v8;
	v8 =	vand.u32 $0x10, v14  }
0x101: {  	[tilespmem:s21+$0xFFFFFDD0] =	vst v7;
	v7 =	vadd.s32 v12, v8  }
0x102: {  	v8 =	vld [tilespmem:s28+$0x60];
	[tilespmem:s21+$0xFFFFFE50] =	vst v6;
	v6 =	vperm.xlane v2, v7;
	v12 =	vperm.xlane v3, v7  }
0x103: {  	v14 =	vperm.xlane v4, v7;
	[tilespmem:s21+$0xFFFFFED0] =	vst v9;
	v9 =	vperm.xlane v1, v7;
	v7 =	vshrl.u32 v11, $0x1B  }
0x104: {  	[tilespmem:s21+$0xFFFFFF50] =	vst v13;
	v7 =	vand.u32 $0x10, v7  }
0x105: {  	[tilespmem:s21+$0xFFFFFFD0] =	vst v10;
	v10 =	vadd.s32 v11, v7  }
0x106: {  	v11 =	vld [tilespmem:s26+$0x60];
	[tilespmem:s21+$0x50] =	vst v6;
	v13 =	vperm.xlane v2, v10;
	v15 =	vperm.xlane v4, v10  }
0x107: {  	v7 =	vperm.xlane v3, v10;
	v6 =	vperm.xlane v1, v10;
	v16 =	vshrl.u32 v8, $0x1B;
	[tilespmem:s21+$0xD0] =	vst v12  }
0x108: {  	v10 =	vand.u32 $0x10, v16;
	[tilespmem:s21+$0x3F0] =	vst v15  }
0x109: {  	v8 =	vadd.s32 v8, v10;
	[tilespmem:s21+$0x150] =	vst v9  }
0x10a: {  	v9 =	vperm.xlane v2, v8;
	v10 =	vperm.xlane v3, v8;
	[tilespmem:s21+$0x1D0] =	vst v14  }
0x10b: {  	v12 =	vperm.xlane v1, v8;
	v8 =	vperm.xlane v4, v8;
	v14 =	vshrl.u32 v11, $0x1B;
	v15 =	vld [tilespmem:s22+$0x60];
	[tilespmem:s23+$0x1F0] =	vst v5;
	s23 =	smov.u32 s21  }
0x10c: {  	[tilespmem:s21+$0xFFFFFC60] =	vst v9;
	v5 =	vand.u32 $0x10, v14  }
0x10d: {  	[tilespmem:s21+$0xFFFFFCE0] =	vst v10;
	v5 =	vadd.s32 v11, v5  }
0x10e: {  	[tilespmem:s21+$0xFFFFFD60] =	vst v12;
	v9 =	vperm.xlane v2, v5;
	v10 =	vperm.xlane v3, v5  }
0x10f: {  	[tilespmem:s21+$0xFFFFFDE0] =	vst v8;
	v8 =	vperm.xlane v1, v5;
	v5 =	vperm.xlane v4, v5  }
0x110: {  	v11 =	vld [tilespmem:s28+$0x70];
	[tilespmem:s21+$0xFFFFFE60] =	vst v9;
	v9 =	vshrl.u32 v15, $0x1B  }
0x111: {  	[tilespmem:s21+$0xFFFFFEE0] =	vst v10;
	v9 =	vand.u32 $0x10, v9  }
0x112: {  	[tilespmem:s21+$0xFFFFFF60] =	vst v8;
	v8 =	vadd.s32 v15, v9  }
0x113: {  	[tilespmem:s21+$0xFFFFFFE0] =	vst v5;
	v9 =	vperm.xlane v2, v8;
	v10 =	vperm.xlane v3, v8  }
.Ltmp0:
0x114: {  	v12 =	vperm.xlane v1, v8;
	v14 =	vperm.xlane v4, v8;
	v5 =	vld [tilespmem:s26+$0x70];
	[tilespmem:s21+$0x270] =	vst v13;
	(pc) =	sbr.rel @p0 .LBB2_2-.Ltmp0, $4  }
0x115: {  	v8 =	vshrl.u32 v11, $0x1B;
	[tilespmem:s21+$0x60] =	vst v9  }
0x116: {  	v8 =	vand.u32 $0x10, v8;
	[tilespmem:s21+$0xE0] =	vst v10  }
0x117: {  	v9 =	vadd.s32 v11, v8;
	[tilespmem:s21+$0x160] =	vst v12  }
0x118: {  	s25 =	sadd.s32 $0x200, s25;
	v10 =	vperm.xlane v2, v9;
	v8 =	vperm.xlane v3, v9;
	[tilespmem:s21+$0x1E0] =	vst v14  }
0x119: {  	v11 =	vshrl.u32 v5, $0x1B;
	v12 =	vld [tilespmem:s22+$0x70];
	[tilespmem:s21+$0x2F0] =	vst v7  }
0x11a: {  	v7 =	vperm.xlane v1, v9;
	[tilespmem:s21+$0xFFFFFC70] =	vst v10;
	v10 =	vand.u32 $0x10, v11  }
0x11b: {  	[tilespmem:s21+$0x370] =	vst v6;
	v5 =	vadd.s32 v5, v10  }
0x11c: {  	[tilespmem:s21+$0xFFFFFD70] =	vst v7;
	v7 =	vperm.xlane v2, v5  }
0x11d: {  	v9 =	vperm.xlane v4, v9;
	[tilespmem:s21+$0xFFFFFCF0] =	vst v8  }
0x11e: {  	v8 =	vperm.xlane v3, v5;
	[tilespmem:s21+$0xFFFFFE70] =	vst v7;
	v7 =	vshrl.u32 v12, $0x1B  }
0x11f: {  	[tilespmem:s21+$0xFFFFFDF0] =	vst v9;
	v9 =	vperm.xlane v1, v5;
	v5 =	vperm.xlane v4, v5;
	v7 =	vand.u32 $0x10, v7  }
0x120: {  	[tilespmem:s21+$0xFFFFFEF0] =	vst v8;
	v7 =	vadd.s32 v12, v7  }
0x121: {  	[tilespmem:s21+$0xFFFFFFF0] =	vst v5;
	v5 =	vperm.xlane v2, v7  }
0x122: {  	[tilespmem:s21+$0xFFFFFF70] =	vst v9;
	v8 =	vperm.xlane v3, v7  }
0x123: {  	v6 =	vperm.xlane v1, v7;
	[tilespmem:s21+$0x70] =	vst v5  }
0x124: {  	[tilespmem:s21+$0xF0] =	vst v8;
	v5 =	vperm.xlane v4, v7  }
0x125: {  	[tilespmem:s23+$0x170] =	vst v6  }
0x126: {  	s24 =	simm.s32 $0x3200;
	[tilespmem:s23+$0x1F0] =	vst v5  }
0x127: {  	s28 =	simm.s32 $0x3380;
	s29 =	sand.u32 $0x7C00, s24;
	_ =	swait.ge [sflag:s15], $0x3000  }
0x128: {  	s22 =	sand.u32 $0x380, s28;
	s26 =	sor.u32 $0x20, s29;
	[sflag:s15] =	ssyncset.done $0x0  }
0x129: {  	s25 =	sor.u32 s22, s26;
	[sflag:s15] =	ssyncadd.s32 $0xFFFFD000  }
0x12a: {  	[hbm4b:s5+s16] =	stream.strided.scatter [tilespmem:s18], [sflag:$0x1], $0xC800, s17, s16, $0x38;
	[tilespmem:$0x1F420] =	vst v63  }
0x12b: {  	v5 =	vld [tilespmem:s25+$0x0];
	_ =	sdelay $0x1  }
0x12c: {  	s21 =	sand.u32 $0x200, s24  }
0x12d: {  	s24 =	sor.u32 s21, s26  }
0x12e: {  	v6 =	vld [tilespmem:s24+$0x0]  }
0x12f: {  	s30 =	simm.s32 $0x3280;
	v7 =	vshrl.u32 v5, $0x1B  }
0x130: {  	s21 =	sand.u32 $0x280, s30;
	v7 =	vand.u32 $0x10, v7  }
0x131: {  	s23 =	sor.u32 s21, s26;
	v5 =	vadd.s32 v5, v7  }
0x132: {  	v7 =	vld [tilespmem:s23+$0x0];
	v8 =	vperm.xlane v2, v5  }
0x133: {  	s31 =	simm.s32 $0x3300;
	s21 =	simm.s32 $0x13410;
	v9 =	vshrl.u32 v6, $0x1B;
	v10 =	vperm.xlane v3, v5  }
0x134: {  	s22 =	sand.u32 $0x300, s31;
	v9 =	vand.u32 $0x10, v9;
	[tilespmem:s21+$0xFFFFFE10] =	vst v8;
	v8 =	vperm.xlane v1, v5  }
0x135: {  	s22 =	sor.u32 s22, s26;
	v6 =	vadd.s32 v6, v9;
	[tilespmem:s21+$0xFFFFFE90] =	vst v10;
	v5 =	vperm.xlane v4, v5  }
0x136: {  	v9 =	vld [tilespmem:s22+$0x0];
	v10 =	vperm.xlane v2, v6;
	[tilespmem:s21+$0xFFFFFF10] =	vst v8  }
0x137: {  	v11 =	vperm.xlane v3, v6;
	v8 =	vshrl.u32 v7, $0x1B;
	[tilespmem:s21+$0xFFFFFF90] =	vst v5  }
0x138: {  	[tilespmem:s21+$0xFFFFF810] =	vst v10;
	v5 =	vand.u32 $0x10, v8;
	v8 =	vperm.xlane v1, v6;
	v10 =	vld [tilespmem:s25+$0x10]  }
0x139: {  	[tilespmem:s21+$0xFFFFF890] =	vst v11;
	v6 =	vperm.xlane v4, v6;
	v5 =	vadd.s32 v7, v5  }
0x13a: {  	v7 =	vperm.xlane v2, v5;
	[tilespmem:s21+$0xFFFFF910] =	vst v8  }
0x13b: {  	v8 =	vshrl.u32 v9, $0x1B;
	v11 =	vperm.xlane v3, v5;
	[tilespmem:s21+$0xFFFFF990] =	vst v6  }
0x13c: {  	v6 =	vand.u32 $0x10, v8;
	v8 =	vperm.xlane v1, v5;
	[tilespmem:s21+$0xFFFFFA10] =	vst v7  }
0x13d: {  	v5 =	vperm.xlane v4, v5;
	v6 =	vadd.s32 v9, v6;
	[tilespmem:s21+$0xFFFFFA90] =	vst v11;
	v7 =	vshrl.u32 v10, $0x1B  }
0x13e: {  	v11 =	vld [tilespmem:s24+$0x10];
	v9 =	vperm.xlane v2, v6;
	[tilespmem:s21+$0xFFFFFB10] =	vst v8;
	v7 =	vand.u32 $0x10, v7  }
0x13f: {  	v8 =	vperm.xlane v3, v6;
	[tilespmem:s21+$0xFFFFFB90] =	vst v5;
	v5 =	vadd.s32 v10, v7  }
0x140: {  	[tilespmem:s21+$0xFFFFFC10] =	vst v9;
	v7 =	vperm.xlane v2, v5  }
0x141: {  	[tilespmem:s21+$0xFFFFFC90] =	vst v8;
	v8 =	vperm.xlane v3, v5  }
0x142: {  	v9 =	vld [tilespmem:s23+$0x10];
	[tilespmem:s21+$0xFFFFFE20] =	vst v7;
	v7 =	vperm.xlane v1, v5  }
0x143: {  	v10 =	vshrl.u32 v11, $0x1B;
	[tilespmem:s21+$0xFFFFFEA0] =	vst v8;
	v5 =	vperm.xlane v4, v5  }
0x144: {  	v8 =	vperm.xlane v1, v6;
	v10 =	vand.u32 $0x10, v10;
	[tilespmem:s21+$0xFFFFFF20] =	vst v7  }
0x145: {  	v6 =	vperm.xlane v4, v6;
	v7 =	vadd.s32 v11, v10;
	[tilespmem:s21+$0xFFFFFFA0] =	vst v5  }
0x146: {  	[tilespmem:s21+$0xFFFFFD10] =	vst v8;
	v5 =	vperm.xlane v2, v7;
	v8 =	vld [tilespmem:s25+$0x20]  }
0x147: {  	v11 =	vshrl.u32 v9, $0x1B;
	[tilespmem:s21+$0xFFFFFD90] =	vst v6;
	v10 =	vperm.xlane v3, v7  }
0x148: {  	v6 =	vperm.xlane v1, v7;
	v11 =	vand.u32 $0x10, v11;
	[tilespmem:s21+$0xFFFFF820] =	vst v5  }
0x149: {  	v5 =	vperm.xlane v4, v7;
	v7 =	vadd.s32 v9, v11;
	[tilespmem:s21+$0xFFFFF8A0] =	vst v10  }
0x14a: {  	v10 =	vld [tilespmem:s22+$0x10];
	[tilespmem:s21+$0xFFFFF920] =	vst v6;
	v9 =	vperm.xlane v2, v7  }
0x14b: {  	v6 =	vperm.xlane v3, v7;
	[tilespmem:s21+$0xFFFFF9A0] =	vst v5;
	v5 =	vshrl.u32 v8, $0x1B  }
0x14c: {  	v11 =	vperm.xlane v1, v7;
	[tilespmem:s21+$0xFFFFFA20] =	vst v9;
	v5 =	vand.u32 $0x10, v5  }
0x14d: {  	v7 =	vperm.xlane v4, v7;
	[tilespmem:s21+$0xFFFFFAA0] =	vst v6;
	v5 =	vadd.s32 v8, v5  }
0x14e: {  	v6 =	vld [tilespmem:s24+$0x20];
	[tilespmem:s21+$0xFFFFFB20] =	vst v11;
	v8 =	vperm.xlane v2, v5  }
0x14f: {  	[tilespmem:s21+$0xFFFFFBA0] =	vst v7;
	v9 =	vshrl.u32 v10, $0x1B;
	v7 =	vperm.xlane v3, v5  }
0x150: {  	v9 =	vand.u32 $0x10, v9;
	[tilespmem:s21+$0xFFFFFE30] =	vst v8;
	v8 =	vperm.xlane v1, v5  }
0x151: {  	v9 =	vadd.s32 v10, v9;
	[tilespmem:s21+$0xFFFFFEB0] =	vst v7;
	v5 =	vperm.xlane v4, v5  }
0x152: {  	v7 =	vld [tilespmem:s23+$0x20];
	v10 =	vperm.xlane v2, v9;
	[tilespmem:s21+$0xFFFFFF30] =	vst v8  }
0x153: {  	v11 =	vperm.xlane v3, v9;
	v8 =	vshrl.u32 v6, $0x1B;
	[tilespmem:s21+$0xFFFFFFB0] =	vst v5  }
0x154: {  	[tilespmem:s21+$0xFFFFFC20] =	vst v10;
	v5 =	vand.u32 $0x10, v8;
	v8 =	vperm.xlane v1, v9;
	v10 =	vld [tilespmem:s25+$0x30]  }
0x155: {  	[tilespmem:s21+$0xFFFFFCA0] =	vst v11;
	v9 =	vperm.xlane v4, v9;
	v5 =	vadd.s32 v6, v5  }
0x156: {  	v6 =	vperm.xlane v2, v5;
	[tilespmem:s21+$0xFFFFFD20] =	vst v8  }
0x157: {  	v8 =	vperm.xlane v3, v5;
	v11 =	vshrl.u32 v7, $0x1B;
	[tilespmem:s21+$0xFFFFFDA0] =	vst v9  }
0x158: {  	v9 =	vperm.xlane v1, v5;
	v11 =	vand.u32 $0x10, v11;
	[tilespmem:s21+$0xFFFFF830] =	vst v6  }
0x159: {  	v5 =	vperm.xlane v4, v5;
	v6 =	vadd.s32 v7, v11;
	[tilespmem:s21+$0xFFFFF8B0] =	vst v8;
	v7 =	vshrl.u32 v10, $0x1B  }
0x15a: {  	v11 =	vld [tilespmem:s22+$0x20];
	[tilespmem:s21+$0xFFFFF930] =	vst v9;
	v8 =	vperm.xlane v2, v6;
	v7 =	vand.u32 $0x10, v7  }
0x15b: {  	[tilespmem:s21+$0xFFFFF9B0] =	vst v5;
	v9 =	vperm.xlane v3, v6;
	v5 =	vadd.s32 v10, v7  }
0x15c: {  	[tilespmem:s21+$0xFFFFFA30] =	vst v8;
	v7 =	vperm.xlane v2, v5  }
0x15d: {  	[tilespmem:s21+$0xFFFFFAB0] =	vst v9;
	v8 =	vperm.xlane v3, v5  }
0x15e: {  	v9 =	vld [tilespmem:s24+$0x30];
	[tilespmem:s21+$0xFFFFFE40] =	vst v7;
	v7 =	vperm.xlane v1, v5  }
0x15f: {  	v10 =	vshrl.u32 v11, $0x1B;
	[tilespmem:s21+$0xFFFFFEC0] =	vst v8;
	v5 =	vperm.xlane v4, v5  }
0x160: {  	v8 =	vperm.xlane v1, v6;
	v10 =	vand.u32 $0x10, v10;
	[tilespmem:s21+$0xFFFFFF40] =	vst v7  }
0x161: {  	v6 =	vperm.xlane v4, v6;
	v7 =	vadd.s32 v11, v10;
	[tilespmem:s21+$0xFFFFFFC0] =	vst v5  }
0x162: {  	[tilespmem:s21+$0xFFFFFB30] =	vst v8;
	v5 =	vperm.xlane v2, v7;
	v8 =	vld [tilespmem:s25+$0x40]  }
0x163: {  	v11 =	vshrl.u32 v9, $0x1B;
	[tilespmem:s21+$0xFFFFFBB0] =	vst v6;
	v10 =	vperm.xlane v3, v7  }
0x164: {  	v6 =	vperm.xlane v1, v7;
	v11 =	vand.u32 $0x10, v11;
	[tilespmem:s21+$0xFFFFFC30] =	vst v5  }
0x165: {  	v5 =	vperm.xlane v4, v7;
	v7 =	vadd.s32 v9, v11;
	[tilespmem:s21+$0xFFFFFCB0] =	vst v10  }
0x166: {  	v10 =	vld [tilespmem:s23+$0x30];
	[tilespmem:s21+$0xFFFFFD30] =	vst v6;
	v9 =	vperm.xlane v2, v7  }
0x167: {  	v6 =	vperm.xlane v3, v7;
	[tilespmem:s21+$0xFFFFFDB0] =	vst v5;
	v5 =	vshrl.u32 v8, $0x1B  }
0x168: {  	v11 =	vperm.xlane v1, v7;
	[tilespmem:s21+$0xFFFFF840] =	vst v9;
	v5 =	vand.u32 $0x10, v5  }
0x169: {  	v7 =	vperm.xlane v4, v7;
	[tilespmem:s21+$0xFFFFF8C0] =	vst v6;
	v5 =	vadd.s32 v8, v5  }
0x16a: {  	v6 =	vld [tilespmem:s22+$0x30];
	[tilespmem:s21+$0xFFFFF940] =	vst v11;
	v8 =	vperm.xlane v2, v5  }
0x16b: {  	[tilespmem:s21+$0xFFFFF9C0] =	vst v7;
	v9 =	vshrl.u32 v10, $0x1B;
	v7 =	vperm.xlane v3, v5  }
0x16c: {  	v9 =	vand.u32 $0x10, v9;
	[tilespmem:s21+$0xFFFFFE50] =	vst v8;
	v8 =	vperm.xlane v1, v5  }
0x16d: {  	v9 =	vadd.s32 v10, v9;
	[tilespmem:s21+$0xFFFFFED0] =	vst v7;
	v5 =	vperm.xlane v4, v5  }
0x16e: {  	v7 =	vld [tilespmem:s24+$0x40];
	v10 =	vperm.xlane v2, v9;
	[tilespmem:s21+$0xFFFFFF50] =	vst v8  }
0x16f: {  	v11 =	vshrl.u32 v6, $0x1B;
	v8 =	vperm.xlane v3, v9;
	[tilespmem:s21+$0xFFFFFFD0] =	vst v5  }
0x170: {  	v11 =	vand.u32 $0x10, v11;
	v5 =	vperm.xlane v1, v9;
	[tilespmem:s21+$0xFFFFFA40] =	vst v10;
	v10 =	vld [tilespmem:s25+$0x50]  }
0x171: {  	v9 =	vperm.xlane v4, v9;
	v6 =	vadd.s32 v6, v11;
	[tilespmem:s21+$0xFFFFFAC0] =	vst v8  }
0x172: {  	v8 =	vperm.xlane v2, v6;
	[tilespmem:s21+$0xFFFFFB40] =	vst v5  }
0x173: {  	v5 =	vperm.xlane v3, v6;
	[tilespmem:s21+$0xFFFFFBC0] =	vst v9;
	v11 =	vshrl.u32 v7, $0x1B  }
0x174: {  	v9 =	vperm.xlane v1, v6;
	v11 =	vand.u32 $0x10, v11;
	[tilespmem:s21+$0xFFFFFC40] =	vst v8  }
0x175: {  	v6 =	vperm.xlane v4, v6;
	[tilespmem:s21+$0xFFFFFCC0] =	vst v5;
	v7 =	vadd.s32 v7, v11;
	v5 =	vshrl.u32 v10, $0x1B  }
0x176: {  	[tilespmem:s21+$0xFFFFFD40] =	vst v9;
	v11 =	vld [tilespmem:s23+$0x40];
	v8 =	vperm.xlane v2, v7;
	v5 =	vand.u32 $0x10, v5  }
0x177: {  	[tilespmem:s21+$0xFFFFFDC0] =	vst v6;
	v9 =	vperm.xlane v3, v7;
	v5 =	vadd.s32 v10, v5  }
0x178: {  	[tilespmem:s21+$0xFFFFF850] =	vst v8;
	v6 =	vperm.xlane v2, v5  }
0x179: {  	[tilespmem:s21+$0xFFFFF8D0] =	vst v9;
	v8 =	vperm.xlane v3, v5  }
0x17a: {  	v9 =	vld [tilespmem:s22+$0x40];
	[tilespmem:s21+$0xFFFFFE60] =	vst v6;
	v6 =	vperm.xlane v1, v5  }
0x17b: {  	v10 =	vshrl.u32 v11, $0x1B;
	[tilespmem:s21+$0xFFFFFEE0] =	vst v8;
	v5 =	vperm.xlane v4, v5  }
0x17c: {  	v8 =	vperm.xlane v1, v7;
	v10 =	vand.u32 $0x10, v10;
	[tilespmem:s21+$0xFFFFFF60] =	vst v6  }
0x17d: {  	v6 =	vperm.xlane v4, v7;
	v7 =	vadd.s32 v11, v10;
	[tilespmem:s21+$0xFFFFFFE0] =	vst v5  }
0x17e: {  	[tilespmem:s21+$0xFFFFF950] =	vst v8;
	v5 =	vperm.xlane v2, v7;
	v8 =	vld [tilespmem:s25+$0x60]  }
0x17f: {  	v11 =	vshrl.u32 v9, $0x1B;
	v10 =	vperm.xlane v3, v7;
	[tilespmem:s21+$0xFFFFF9D0] =	vst v6  }
0x180: {  	v11 =	vand.u32 $0x10, v11;
	v6 =	vperm.xlane v1, v7;
	[tilespmem:s21+$0xFFFFFA50] =	vst v5  }
0x181: {  	v5 =	vperm.xlane v4, v7;
	v7 =	vadd.s32 v9, v11;
	[tilespmem:s21+$0xFFFFFAD0] =	vst v10  }
0x182: {  	v9 =	vld [tilespmem:s24+$0x50];
	v10 =	vperm.xlane v2, v7;
	[tilespmem:s21+$0xFFFFFB50] =	vst v6  }
0x183: {  	v6 =	vperm.xlane v3, v7;
	[tilespmem:s21+$0xFFFFFBD0] =	vst v5;
	v5 =	vshrl.u32 v8, $0x1B  }
0x184: {  	v11 =	vperm.xlane v1, v7;
	[tilespmem:s21+$0xFFFFFC50] =	vst v10;
	v5 =	vand.u32 $0x10, v5  }
0x185: {  	v7 =	vperm.xlane v4, v7;
	[tilespmem:s21+$0xFFFFFCD0] =	vst v6;
	v5 =	vadd.s32 v8, v5  }
0x186: {  	v6 =	vld [tilespmem:s23+$0x50];
	[tilespmem:s21+$0xFFFFFD50] =	vst v11;
	v8 =	vperm.xlane v2, v5  }
0x187: {  	[tilespmem:s21+$0xFFFFFDD0] =	vst v7;
	v10 =	vshrl.u32 v9, $0x1B;
	v7 =	vperm.xlane v3, v5  }
0x188: {  	v10 =	vand.u32 $0x10, v10;
	[tilespmem:s21+$0xFFFFFE70] =	vst v8;
	v8 =	vperm.xlane v1, v5  }
0x189: {  	v9 =	vadd.s32 v9, v10;
	[tilespmem:s21+$0xFFFFFEF0] =	vst v7;
	v5 =	vperm.xlane v4, v5  }
0x18a: {  	v7 =	vperm.xlane v2, v9;
	[tilespmem:s21+$0xFFFFFF70] =	vst v8  }
0x18b: {  	v10 =	vperm.xlane v3, v9;
	v11 =	vshrl.u32 v6, $0x1B;
	v8 =	vld [tilespmem:s22+$0x50];
	[tilespmem:s21+$0xFFFFFFF0] =	vst v5  }
0x18c: {  	v11 =	vand.u32 $0x10, v11;
	v5 =	vperm.xlane v1, v9;
	[tilespmem:s21+$0xFFFFF860] =	vst v7  }
0x18d: {  	v7 =	vperm.xlane v4, v9;
	v6 =	vadd.s32 v6, v11;
	[tilespmem:s21+$0xFFFFF8E0] =	vst v10  }
0x18e: {  	v9 =	vperm.xlane v2, v6;
	[tilespmem:s21+$0xFFFFF960] =	vst v5  }
0x18f: {  	v10 =	vld [tilespmem:s25+$0x70];
	v5 =	vperm.xlane v3, v6;
	[tilespmem:s21+$0xFFFFF9E0] =	vst v7  }
0x190: {  	v7 =	vperm.xlane v1, v6;
	v62 =	vld [tilespmem:s24+$0x60];
	[tilespmem:s21+$0xFFFFFA60] =	vst v9;
	v11 =	vshrl.u32 v8, $0x1B  }
0x191: {  	v6 =	vperm.xlane v4, v6;
	[tilespmem:s21+$0xFFFFFAE0] =	vst v5;
	v9 =	vand.u32 $0x10, v11  }
0x192: {  	[tilespmem:s21+$0xFFFFFB60] =	vst v7;
	v5 =	vadd.s32 v8, v9  }
0x193: {  	[tilespmem:s21+$0xFFFFFBE0] =	vst v6;
	v7 =	vperm.xlane v2, v5  }
0x194: {  	v8 =	vshrl.u32 v10, $0x1B;
	v9 =	vld [tilespmem:s23+$0x60];
	v6 =	vperm.xlane v3, v5  }
0x195: {  	v11 =	vperm.xlane v1, v5;
	v8 =	vand.u32 $0x10, v8;
	[tilespmem:s21+$0xFFFFFC60] =	vst v7;
	v7 =	vshrl.u32 v62, $0x1B  }
0x196: {  	v5 =	vperm.xlane v4, v5;
	v8 =	vadd.s32 v10, v8;
	[tilespmem:s21+$0xFFFFFCE0] =	vst v6;
	v6 =	vand.u32 $0x10, v7  }
0x197: {  	[tilespmem:s21+$0xFFFFFD60] =	vst v11;
	v7 =	vperm.xlane v4, v8;
	v6 =	vadd.s32 v62, v6  }
0x198: {  	[tilespmem:s21+$0xFFFFFDE0] =	vst v5;
	v10 =	vperm.xlane v2, v6  }
0x199: {  	v11 =	vld [tilespmem:s22+$0x60];
	[tilespmem:s21+$0x0] =	vst v7;
	v5 =	vperm.xlane v3, v6;
	v7 =	vshrl.u32 v9, $0x1B  }
0x19a: {  	v12 =	vperm.xlane v1, v6;
	v7 =	vand.u32 $0x10, v7;
	[tilespmem:s21+$0xFFFFF870] =	vst v10  }
0x19b: {  	v6 =	vperm.xlane v4, v6;
	[tilespmem:s21+$0xFFFFF8F0] =	vst v5;
	v5 =	vadd.s32 v9, v7  }
0x19c: {  	[tilespmem:s21+$0xFFFFF970] =	vst v12;
	v7 =	vperm.xlane v2, v5  }
0x19d: {  	[tilespmem:s21+$0xFFFFF9F0] =	vst v6  }
0x19e: {  	v9 =	vperm.xlane v3, v5;
	[tilespmem:s21+$0xFFFFFA70] =	vst v7;
	v7 =	vshrl.u32 v11, $0x1B  }
0x19f: {  	v6 =	vperm.xlane v1, v5;
	v10 =	vld [tilespmem:s24+$0x70];
	v5 =	vperm.xlane v4, v5;
	v7 =	vand.u32 $0x10, v7  }
0x1a0: {  	[tilespmem:s21+$0xFFFFFAF0] =	vst v9;
	v11 =	vadd.s32 v11, v7  }
0x1a1: {  	[tilespmem:s21+$0xFFFFFBF0] =	vst v5;
	v5 =	vperm.xlane v2, v11  }
0x1a2: {  	v9 =	vperm.xlane v2, v8;
	[tilespmem:s21+$0xFFFFFB70] =	vst v6  }
0x1a3: {  	v6 =	vperm.xlane v3, v11;
	[tilespmem:s21+$0xFFFFFC70] =	vst v5;
	v5 =	vld [tilespmem:s23+$0x70]  }
0x1a4: {  	[tilespmem:s21+$0xFFFFFE80] =	vst v9;
	v63 =	vperm.xlane v1, v11;
	v9 =	vshrl.u32 v10, $0x1B  }
0x1a5: {  	v13 =	vand.u32 $0x10, v9;
	v9 =	vperm.xlane v4, v11;
	[tilespmem:s21+$0xFFFFFCF0] =	vst v6  }
0x1a6: {  	s25 =	simm.s32 $0x3580;
	s24 =	simm.s32 $0x64;
	v7 =	vperm.xlane v3, v8;
	v6 =	vperm.xlane v1, v8;
	v8 =	vadd.s32 v10, v13;
	[tilespmem:s21+$0xFFFFFD70] =	vst v63;
	s23 =	simm.s32 $0x13410  }
.LBB2_4:
0x1a7: {  	s26 =	sadd.s32 $0xFFFFFE80, s25;
	s28 =	sadd.s32 $0xFFFFFF00, s25;
	s29 =	sadd.s32 $0xFFFFFF80, s25;
	v10 =	vperm.xlane v2, v8;
	v11 =	vperm.xlane v3, v8;
	[tilespmem:s21+$0xFFFFFDF0] =	vst v9  }
0x1a8: {  	v9 =	vperm.xlane v1, v8;
	v8 =	vperm.xlane v4, v8;
	s30 =	sand.u32 $0x200, s26;
	s26 =	sand.u32 $0x7C00, s26;
	s31 =	sand.u32 $0x280, s28;
	v12 =	vshrl.u32 v5, $0x1B;
	v13 =	vld [tilespmem:s22+$0x70];
	[tilespmem:s21+$0xFFFFFF00] =	vst v7  }
0x1a9: {  	s0 =	sand.u32 $0x300, s29;
	s29 =	sand.u32 $0x380, s25;
	s22 =	sor.u32 $0x20, s26;
	[tilespmem:s21+$0xFFFFF880] =	vst v10;
	v7 =	vand.u32 $0x10, v12  }
0x1aa: {  	s28 =	sor.u32 s30, s22;
	s26 =	sor.u32 s31, s22;
	s29 =	sor.u32 s29, s22;
	[tilespmem:s21+$0xFFFFF900] =	vst v11;
	v5 =	vadd.s32 v5, v7  }
0x1ab: {  	s22 =	sor.u32 s0, s22;
	v7 =	vld [tilespmem:s29+$0x0];
	[tilespmem:s21+$0xFFFFF980] =	vst v9;
	v9 =	vperm.xlane v2, v5;
	v10 =	vperm.xlane v3, v5  }
0x1ac: {  	v11 =	vld [tilespmem:s28+$0x0];
	[tilespmem:s21+$0xFFFFFA00] =	vst v8;
	v8 =	vperm.xlane v1, v5;
	v5 =	vperm.xlane v4, v5  }
0x1ad: {  	v12 =	vld [tilespmem:s26+$0x0];
	[tilespmem:s21+$0xFFFFFA80] =	vst v9;
	v9 =	vshrl.u32 v13, $0x1B  }
0x1ae: {  	v14 =	vld [tilespmem:s22+$0x0];
	[tilespmem:s21+$0xFFFFFB00] =	vst v10;
	v9 =	vand.u32 $0x10, v9  }
0x1af: {  	[tilespmem:s21+$0xFFFFFB80] =	vst v8;
	v8 =	vadd.s32 v13, v9  }
0x1b0: {  	v9 =	vshrl.u32 v7, $0x1B;
	[tilespmem:s21+$0xFFFFFC00] =	vst v5;
	v5 =	vperm.xlane v2, v8;
	v10 =	vperm.xlane v3, v8  }
0x1b1: {  	v15 =	vperm.xlane v1, v8;
	v13 =	vshrl.u32 v11, $0x1B;
	v9 =	vand.u32 $0x10, v9;
	[tilespmem:s21+$0xFFFFFF80] =	vst v6  }
0x1b2: {  	v6 =	vand.u32 $0x10, v13;
	v13 =	vshrl.u32 v12, $0x1B;
	v7 =	vadd.s32 v7, v9;
	[tilespmem:s21+$0xFFFFFC80] =	vst v5  }
0x1b3: {  	v5 =	vand.u32 $0x10, v13;
	v9 =	vshrl.u32 v14, $0x1B;
	v13 =	vperm.xlane v2, v7;
	[tilespmem:s21+$0xFFFFFD00] =	vst v10  }
0x1b4: {  	v6 =	vadd.s32 v11, v6;
	v10 =	vperm.xlane v3, v7;
	s21 =	sadd.s32 $0x800, s21;
	v9 =	vand.u32 $0x10, v9;
	[tilespmem:s23+$0xFFFFFD80] =	vst v15  }
0x1b5: {  	v11 =	vperm.xlane v1, v7;
	v5 =	vadd.s32 v12, v5;
	v9 =	vadd.s32 v14, v9;
	[tilespmem:s21+$0xFFFFFE10] =	vst v13  }
0x1b6: {  	v7 =	vperm.xlane v4, v7;
	v12 =	vperm.xlane v2, v6;
	[tilespmem:s21+$0xFFFFFE90] =	vst v10  }
0x1b7: {  	v13 =	vperm.xlane v1, v6;
	v10 =	vperm.xlane v3, v6;
	[tilespmem:s21+$0xFFFFFF10] =	vst v11  }
0x1b8: {  	v6 =	vperm.xlane v4, v6;
	v11 =	vperm.xlane v2, v5;
	[tilespmem:s21+$0xFFFFFF90] =	vst v7  }
0x1b9: {  	v7 =	vperm.xlane v3, v5;
	[tilespmem:s21+$0xFFFFF810] =	vst v12;
	v12 =	vperm.xlane v1, v5;
	v14 =	vld [tilespmem:s29+$0x10]  }
0x1ba: {  	v15 =	vperm.xlane v2, v9;
	[tilespmem:s21+$0xFFFFF890] =	vst v10;
	v10 =	vperm.xlane v4, v5  }
0x1bb: {  	v16 =	vperm.xlane v1, v9;
	[tilespmem:s21+$0xFFFFF910] =	vst v13;
	v13 =	vperm.xlane v3, v9  }
0x1bc: {  	s24 =	sadd.s32 $0x4, s24;
	v5 =	vperm.xlane v4, v8;
	[tilespmem:s21+$0xFFFFF990] =	vst v6;
	v6 =	vperm.xlane v4, v9  }
0x1bd: {  	p0 =	slt.u32 s24, $0xC4;
	v8 =	vld [tilespmem:s28+$0x10];
	[tilespmem:s21+$0xFFFFFA10] =	vst v11  }
0x1be: {  	[tilespmem:s21+$0xFFFFFA90] =	vst v7;
	v7 =	vshrl.u32 v14, $0x1B  }
0x1bf: {  	[tilespmem:s21+$0xFFFFFB10] =	vst v12;
	v7 =	vand.u32 $0x10, v7  }
0x1c0: {  	[tilespmem:s21+$0xFFFFFB90] =	vst v10;
	v7 =	vadd.s32 v14, v7  }
0x1c1: {  	v9 =	vld [tilespmem:s26+$0x10];
	[tilespmem:s21+$0xFFFFFC10] =	vst v15;
	v10 =	vperm.xlane v2, v7  }
0x1c2: {  	v12 =	vperm.xlane v3, v7;
	v11 =	vshrl.u32 v8, $0x1B;
	[tilespmem:s21+$0xFFFFFC90] =	vst v13  }
0x1c3: {  	v11 =	vand.u32 $0x10, v11;
	[tilespmem:s21+$0xFFFFFE20] =	vst v10;
	v10 =	vperm.xlane v1, v7  }
0x1c4: {  	v7 =	vperm.xlane v4, v7;
	v8 =	vadd.s32 v8, v11;
	[tilespmem:s21+$0xFFFFFEA0] =	vst v12  }
0x1c5: {  	v11 =	vperm.xlane v2, v8;
	v12 =	vperm.xlane v3, v8;
	[tilespmem:s21+$0xFFFFFF20] =	vst v10  }
0x1c6: {  	v10 =	vperm.xlane v1, v8;
	v8 =	vperm.xlane v4, v8;
	v13 =	vshrl.u32 v9, $0x1B;
	[tilespmem:s21+$0xFFFFFFA0] =	vst v7  }
0x1c7: {  	v7 =	vand.u32 $0x10, v13;
	[tilespmem:s21+$0xFFFFFD10] =	vst v16;
	v13 =	vld [tilespmem:s29+$0x20]  }
0x1c8: {  	v7 =	vadd.s32 v9, v7;
	[tilespmem:s21+$0xFFFFFD90] =	vst v6  }
0x1c9: {  	[tilespmem:s21+$0xFFFFF820] =	vst v11;
	v6 =	vperm.xlane v2, v7;
	v9 =	vperm.xlane v3, v7;
	v11 =	vld [tilespmem:s22+$0x10]  }
0x1ca: {  	[tilespmem:s21+$0xFFFFF8A0] =	vst v12;
	v12 =	vperm.xlane v1, v7;
	v7 =	vperm.xlane v4, v7  }
0x1cb: {  	[tilespmem:s21+$0xFFFFF920] =	vst v10  }
0x1cc: {  	[tilespmem:s21+$0xFFFFF9A0] =	vst v8;
	v8 =	vshrl.u32 v13, $0x1B  }
0x1cd: {  	v10 =	vld [tilespmem:s28+$0x20];
	[tilespmem:s21+$0xFFFFFA20] =	vst v6;
	v6 =	vand.u32 $0x10, v8  }
0x1ce: {  	[tilespmem:s21+$0xFFFFFAA0] =	vst v9;
	v8 =	vshrl.u32 v11, $0x1B;
	v6 =	vadd.s32 v13, v6  }
0x1cf: {  	[tilespmem:s21+$0xFFFFFB20] =	vst v12;
	v8 =	vand.u32 $0x10, v8;
	v9 =	vperm.xlane v2, v6  }
0x1d0: {  	[tilespmem:s21+$0xFFFFFBA0] =	vst v7;
	v7 =	vadd.s32 v11, v8;
	v8 =	vperm.xlane v3, v6  }
0x1d1: {  	v11 =	vld [tilespmem:s26+$0x20];
	v12 =	vperm.xlane v2, v7;
	[tilespmem:s21+$0xFFFFFE30] =	vst v9;
	v9 =	vperm.xlane v1, v6  }
0x1d2: {  	v14 =	vperm.xlane v3, v7;
	v6 =	vperm.xlane v4, v6;
	v13 =	vshrl.u32 v10, $0x1B;
	[tilespmem:s21+$0xFFFFFEB0] =	vst v8  }
0x1d3: {  	v8 =	vand.u32 $0x10, v13;
	v13 =	vperm.xlane v1, v7;
	v7 =	vperm.xlane v4, v7;
	[tilespmem:s21+$0xFFFFFF30] =	vst v9  }
0x1d4: {  	v8 =	vadd.s32 v10, v8;
	[tilespmem:s21+$0xFFFFFFB0] =	vst v6  }
0x1d5: {  	v6 =	vperm.xlane v2, v8;
	v9 =	vperm.xlane v3, v8;
	[tilespmem:s21+$0xFFFFFC20] =	vst v12;
	v10 =	vld [tilespmem:s29+$0x30]  }
0x1d6: {  	v12 =	vperm.xlane v1, v8;
	v8 =	vperm.xlane v4, v8;
	v15 =	vshrl.u32 v11, $0x1B;
	[tilespmem:s21+$0xFFFFFCA0] =	vst v14  }
0x1d7: {  	v14 =	vand.u32 $0x10, v15;
	[tilespmem:s21+$0xFFFFFD20] =	vst v13  }
0x1d8: {  	v11 =	vadd.s32 v11, v14;
	[tilespmem:s21+$0xFFFFFDA0] =	vst v7  }
0x1d9: {  	[tilespmem:s21+$0xFFFFF830] =	vst v6;
	v6 =	vperm.xlane v2, v11;
	v7 =	vperm.xlane v3, v11;
	v13 =	vld [tilespmem:s22+$0x20]  }
0x1da: {  	[tilespmem:s21+$0xFFFFF8B0] =	vst v9;
	v9 =	vperm.xlane v1, v11;
	v11 =	vperm.xlane v4, v11;
	v14 =	vshrl.u32 v10, $0x1B  }
0x1db: {  	[tilespmem:s21+$0xFFFFF930] =	vst v12;
	v12 =	vand.u32 $0x10, v14  }
0x1dc: {  	[tilespmem:s21+$0xFFFFF9B0] =	vst v8;
	v8 =	vadd.s32 v10, v12  }
0x1dd: {  	v10 =	vld [tilespmem:s28+$0x30];
	[tilespmem:s21+$0xFFFFFA30] =	vst v6;
	v6 =	vperm.xlane v2, v8  }
0x1de: {  	v12 =	vperm.xlane v3, v8;
	[tilespmem:s21+$0xFFFFFAB0] =	vst v7;
	v7 =	vshrl.u32 v13, $0x1B  }
0x1df: {  	v7 =	vand.u32 $0x10, v7;
	[tilespmem:s21+$0xFFFFFE40] =	vst v6;
	v6 =	vperm.xlane v1, v8  }
0x1e0: {  	v8 =	vperm.xlane v4, v8;
	v7 =	vadd.s32 v13, v7;
	[tilespmem:s21+$0xFFFFFEC0] =	vst v12  }
0x1e1: {  	v12 =	vperm.xlane v2, v7;
	v13 =	vperm.xlane v3, v7;
	[tilespmem:s21+$0xFFFFFF40] =	vst v6  }
0x1e2: {  	v14 =	vperm.xlane v1, v7;
	v7 =	vperm.xlane v4, v7;
	v6 =	vshrl.u32 v10, $0x1B;
	[tilespmem:s21+$0xFFFFFFC0] =	vst v8  }
0x1e3: {  	v6 =	vand.u32 $0x10, v6;
	[tilespmem:s21+$0xFFFFFB30] =	vst v9;
	v8 =	vld [tilespmem:s29+$0x40]  }
0x1e4: {  	v6 =	vadd.s32 v10, v6;
	[tilespmem:s21+$0xFFFFFBB0] =	vst v11  }
0x1e5: {  	v9 =	vperm.xlane v2, v6;
	v10 =	vperm.xlane v3, v6;
	v11 =	vld [tilespmem:s26+$0x30];
	[tilespmem:s21+$0xFFFFFC30] =	vst v12  }
0x1e6: {  	v12 =	vperm.xlane v1, v6;
	v6 =	vperm.xlane v4, v6;
	[tilespmem:s21+$0xFFFFFCB0] =	vst v13  }
0x1e7: {  	[tilespmem:s21+$0xFFFFFD30] =	vst v14  }
0x1e8: {  	[tilespmem:s21+$0xFFFFFDB0] =	vst v7;
	v7 =	vshrl.u32 v8, $0x1B  }
0x1e9: {  	[tilespmem:s21+$0xFFFFF840] =	vst v9;
	v9 =	vld [tilespmem:s22+$0x30];
	v7 =	vand.u32 $0x10, v7  }
0x1ea: {  	[tilespmem:s21+$0xFFFFF8C0] =	vst v10;
	v10 =	vshrl.u32 v11, $0x1B;
	v7 =	vadd.s32 v8, v7  }
0x1eb: {  	[tilespmem:s21+$0xFFFFF940] =	vst v12;
	v8 =	vand.u32 $0x10, v10;
	v10 =	vperm.xlane v2, v7  }
0x1ec: {  	[tilespmem:s21+$0xFFFFF9C0] =	vst v6;
	v6 =	vadd.s32 v11, v8;
	v8 =	vperm.xlane v3, v7  }
0x1ed: {  	v11 =	vld [tilespmem:s28+$0x40];
	v12 =	vperm.xlane v2, v6;
	[tilespmem:s21+$0xFFFFFE50] =	vst v10;
	v10 =	vperm.xlane v1, v7  }
0x1ee: {  	v13 =	vperm.xlane v3, v6;
	v7 =	vperm.xlane v4, v7;
	v14 =	vshrl.u32 v9, $0x1B;
	[tilespmem:s21+$0xFFFFFED0] =	vst v8  }
0x1ef: {  	v8 =	vperm.xlane v1, v6;
	v6 =	vperm.xlane v4, v6;
	v14 =	vand.u32 $0x10, v14;
	[tilespmem:s21+$0xFFFFFF50] =	vst v10  }
0x1f0: {  	v9 =	vadd.s32 v9, v14;
	[tilespmem:s21+$0xFFFFFFD0] =	vst v7  }
0x1f1: {  	[tilespmem:s21+$0xFFFFFA40] =	vst v12;
	v7 =	vperm.xlane v2, v9;
	v10 =	vperm.xlane v3, v9;
	v12 =	vld [tilespmem:s29+$0x50]  }
0x1f2: {  	v14 =	vshrl.u32 v11, $0x1B;
	[tilespmem:s21+$0xFFFFFAC0] =	vst v13;
	v13 =	vperm.xlane v1, v9;
	v9 =	vperm.xlane v4, v9  }
0x1f3: {  	v14 =	vand.u32 $0x10, v14;
	[tilespmem:s21+$0xFFFFFB40] =	vst v8  }
0x1f4: {  	v8 =	vadd.s32 v11, v14;
	[tilespmem:s21+$0xFFFFFBC0] =	vst v6  }
0x1f5: {  	v6 =	vperm.xlane v2, v8;
	v11 =	vperm.xlane v3, v8;
	v14 =	vld [tilespmem:s26+$0x40];
	[tilespmem:s21+$0xFFFFFC40] =	vst v7  }
0x1f6: {  	v7 =	vperm.xlane v1, v8;
	v8 =	vperm.xlane v4, v8;
	[tilespmem:s21+$0xFFFFFCC0] =	vst v10;
	v10 =	vshrl.u32 v12, $0x1B  }
0x1f7: {  	[tilespmem:s21+$0xFFFFFD40] =	vst v13;
	v10 =	vand.u32 $0x10, v10  }
0x1f8: {  	[tilespmem:s21+$0xFFFFFDC0] =	vst v9;
	v9 =	vadd.s32 v12, v10  }
0x1f9: {  	[tilespmem:s21+$0xFFFFF850] =	vst v6;
	v6 =	vld [tilespmem:s22+$0x40];
	v10 =	vperm.xlane v2, v9  }
0x1fa: {  	v12 =	vperm.xlane v3, v9;
	[tilespmem:s21+$0xFFFFF8D0] =	vst v11;
	v11 =	vshrl.u32 v14, $0x1B  }
0x1fb: {  	v11 =	vand.u32 $0x10, v11;
	[tilespmem:s21+$0xFFFFFE60] =	vst v10;
	v10 =	vperm.xlane v1, v9  }
0x1fc: {  	v9 =	vperm.xlane v4, v9;
	v11 =	vadd.s32 v14, v11;
	[tilespmem:s21+$0xFFFFFEE0] =	vst v12  }
0x1fd: {  	v12 =	vperm.xlane v2, v11;
	v13 =	vperm.xlane v3, v11;
	[tilespmem:s21+$0xFFFFFF60] =	vst v10  }
0x1fe: {  	v10 =	vperm.xlane v1, v11;
	v11 =	vperm.xlane v4, v11;
	v14 =	vshrl.u32 v6, $0x1B;
	[tilespmem:s21+$0xFFFFFFE0] =	vst v9  }
0x1ff: {  	[tilespmem:s21+$0xFFFFF950] =	vst v7;
	v7 =	vand.u32 $0x10, v14;
	v9 =	vld [tilespmem:s29+$0x60]  }
0x200: {  	[tilespmem:s21+$0xFFFFF9D0] =	vst v8;
	v6 =	vadd.s32 v6, v7  }
0x201: {  	v7 =	vld [tilespmem:s28+$0x50];
	[tilespmem:s21+$0xFFFFFA50] =	vst v12;
	v8 =	vperm.xlane v2, v6;
	v12 =	vperm.xlane v3, v6  }
0x202: {  	[tilespmem:s21+$0xFFFFFAD0] =	vst v13;
	v13 =	vperm.xlane v1, v6;
	v6 =	vperm.xlane v4, v6  }
0x203: {  	[tilespmem:s21+$0xFFFFFB50] =	vst v10  }
0x204: {  	[tilespmem:s21+$0xFFFFFBD0] =	vst v11;
	v10 =	vshrl.u32 v9, $0x1B  }
0x205: {  	v11 =	vld [tilespmem:s26+$0x50];
	[tilespmem:s21+$0xFFFFFC50] =	vst v8;
	v8 =	vand.u32 $0x10, v10  }
0x206: {  	v10 =	vshrl.u32 v7, $0x1B;
	[tilespmem:s21+$0xFFFFFCD0] =	vst v12;
	v8 =	vadd.s32 v9, v8  }
0x207: {  	v9 =	vand.u32 $0x10, v10;
	[tilespmem:s21+$0xFFFFFD50] =	vst v13;
	v10 =	vperm.xlane v2, v8  }
0x208: {  	v7 =	vadd.s32 v7, v9;
	[tilespmem:s21+$0xFFFFFDD0] =	vst v6;
	v6 =	vperm.xlane v3, v8  }
0x209: {  	v9 =	vperm.xlane v2, v7;
	v12 =	vld [tilespmem:s22+$0x50];
	[tilespmem:s21+$0xFFFFFE70] =	vst v10;
	v10 =	vperm.xlane v1, v8  }
0x20a: {  	v13 =	vperm.xlane v3, v7;
	v14 =	vshrl.u32 v11, $0x1B;
	[tilespmem:s21+$0xFFFFFEF0] =	vst v6;
	v6 =	vperm.xlane v4, v8  }
0x20b: {  	v8 =	vperm.xlane v1, v7;
	v7 =	vperm.xlane v4, v7;
	v14 =	vand.u32 $0x10, v14;
	[tilespmem:s21+$0xFFFFFF70] =	vst v10  }
0x20c: {  	v10 =	vadd.s32 v11, v14;
	[tilespmem:s21+$0xFFFFFFF0] =	vst v6  }
0x20d: {  	[tilespmem:s21+$0xFFFFF860] =	vst v9;
	v6 =	vperm.xlane v2, v10;
	v9 =	vperm.xlane v3, v10;
	v11 =	vld [tilespmem:s29+$0x70]  }
0x20e: {  	[tilespmem:s21+$0xFFFFF8E0] =	vst v13;
	v13 =	vperm.xlane v1, v10;
	v10 =	vperm.xlane v4, v10;
	v14 =	vshrl.u32 v12, $0x1B  }
0x20f: {  	[tilespmem:s21+$0xFFFFF960] =	vst v8;
	v8 =	vand.u32 $0x10, v14  }
0x210: {  	[tilespmem:s21+$0xFFFFF9E0] =	vst v7;
	v7 =	vadd.s32 v12, v8  }
0x211: {  	v8 =	vld [tilespmem:s28+$0x60];
	[tilespmem:s21+$0xFFFFFA60] =	vst v6;
	v6 =	vperm.xlane v2, v7;
	v12 =	vperm.xlane v3, v7  }
0x212: {  	v14 =	vperm.xlane v4, v7;
	[tilespmem:s21+$0xFFFFFAE0] =	vst v9;
	v9 =	vperm.xlane v1, v7;
	v7 =	vshrl.u32 v11, $0x1B  }
0x213: {  	[tilespmem:s21+$0xFFFFFB60] =	vst v13;
	v7 =	vand.u32 $0x10, v7  }
0x214: {  	[tilespmem:s21+$0xFFFFFBE0] =	vst v10;
	v10 =	vadd.s32 v11, v7  }
0x215: {  	v11 =	vld [tilespmem:s26+$0x60];
	[tilespmem:s21+$0xFFFFFC60] =	vst v6;
	v13 =	vperm.xlane v2, v10;
	v15 =	vperm.xlane v4, v10  }
0x216: {  	v7 =	vperm.xlane v3, v10;
	v6 =	vperm.xlane v1, v10;
	v16 =	vshrl.u32 v8, $0x1B;
	[tilespmem:s21+$0xFFFFFCE0] =	vst v12  }
0x217: {  	v10 =	vand.u32 $0x10, v16;
	[tilespmem:s21+$0x0] =	vst v15  }
0x218: {  	v8 =	vadd.s32 v8, v10;
	[tilespmem:s21+$0xFFFFFD60] =	vst v9  }
0x219: {  	v9 =	vperm.xlane v2, v8;
	v10 =	vperm.xlane v3, v8;
	[tilespmem:s21+$0xFFFFFDE0] =	vst v14  }
0x21a: {  	v12 =	vperm.xlane v1, v8;
	v8 =	vperm.xlane v4, v8;
	v14 =	vshrl.u32 v11, $0x1B;
	v15 =	vld [tilespmem:s22+$0x60];
	[tilespmem:s23+$0xFFFFFE00] =	vst v5;
	s23 =	smov.u32 s21  }
0x21b: {  	[tilespmem:s21+$0xFFFFF870] =	vst v9;
	v5 =	vand.u32 $0x10, v14  }
0x21c: {  	[tilespmem:s21+$0xFFFFF8F0] =	vst v10;
	v5 =	vadd.s32 v11, v5  }
0x21d: {  	[tilespmem:s21+$0xFFFFF970] =	vst v12;
	v9 =	vperm.xlane v2, v5;
	v10 =	vperm.xlane v3, v5  }
0x21e: {  	[tilespmem:s21+$0xFFFFF9F0] =	vst v8;
	v8 =	vperm.xlane v1, v5;
	v5 =	vperm.xlane v4, v5  }
0x21f: {  	v11 =	vld [tilespmem:s28+$0x70];
	[tilespmem:s21+$0xFFFFFA70] =	vst v9;
	v9 =	vshrl.u32 v15, $0x1B  }
0x220: {  	[tilespmem:s21+$0xFFFFFAF0] =	vst v10;
	v9 =	vand.u32 $0x10, v9  }
0x221: {  	[tilespmem:s21+$0xFFFFFB70] =	vst v8;
	v8 =	vadd.s32 v15, v9  }
.Ltmp1:
0x222: {  	[tilespmem:s21+$0xFFFFFBF0] =	vst v5;
	v10 =	vperm.xlane v2, v8;
	v12 =	vperm.xlane v3, v8;
	(pc) =	sbr.rel @p0 .LBB2_4-.Ltmp1, $4  }
0x223: {  	v14 =	vperm.xlane v1, v8;
	v9 =	vperm.xlane v4, v8;
	v5 =	vld [tilespmem:s26+$0x70];
	[tilespmem:s21+$0xFFFFFE80] =	vst v13  }
0x224: {  	v8 =	vshrl.u32 v11, $0x1B;
	[tilespmem:s21+$0xFFFFFC70] =	vst v10  }
0x225: {  	v8 =	vand.u32 $0x10, v8;
	[tilespmem:s21+$0xFFFFFCF0] =	vst v12  }
0x226: {  	s25 =	sadd.s32 $0x200, s25;
	v8 =	vadd.s32 v11, v8;
	[tilespmem:s21+$0xFFFFFD70] =	vst v14  }
0x227: {  	[tilespmem:s21+$0xFFFFFDF0] =	vst v9  }
0x228: {  	v10 =	vperm.xlane v2, v8;
	[tilespmem:s21+$0xFFFFFF00] =	vst v7;
	v12 =	vld [tilespmem:s22+$0x70]  }
0x229: {  	v55 =	vperm.xlane v3, v8;
	[tilespmem:s21+$0xFFFFFF80] =	vst v6;
	v11 =	vshrl.u32 v5, $0x1B  }
0x22a: {  	v56 =	vperm.xlane v1, v8;
	[tilespmem:s21+$0xFFFFF880] =	vst v10;
	v57 =	vand.u32 $0x10, v11  }
0x22b: {  	v58 =	vperm.xlane v4, v8;
	[tilespmem:s21+$0xFFFFF900] =	vst v55;
	v59 =	vadd.s32 v5, v57  }
0x22c: {  	[tilespmem:s21+$0xFFFFF980] =	vst v56;
	v60 =	vperm.xlane v2, v59  }
0x22d: {  	[tilespmem:s21+$0xFFFFFA00] =	vst v58;
	v61 =	vperm.xlane v3, v59;
	v63 =	vshrl.u32 v12, $0x1B  }
0x22e: {  	v62 =	vperm.xlane v1, v59;
	[tilespmem:s21+$0xFFFFFA80] =	vst v60;
	v7 =	vand.u32 $0x10, v63  }
0x22f: {  	v5 =	vperm.xlane v4, v59;
	[tilespmem:s21+$0xFFFFFB00] =	vst v61;
	v7 =	vadd.s32 v12, v7  }
0x230: {  	[tilespmem:s21+$0xFFFFFB80] =	vst v62;
	v2 =	vperm.xlane v2, v7  }
0x231: {  	[tilespmem:s21+$0xFFFFFC00] =	vst v5;
	v3 =	vperm.xlane v3, v7  }
0x232: {  	v1 =	vperm.xlane v1, v7;
	[tilespmem:s21+$0xFFFFFC80] =	vst v2  }
0x233: {  	[tilespmem:s21+$0xFFFFFD00] =	vst v3;
	v2 =	vperm.xlane v4, v7  }
0x234: {  	[tilespmem:s23+$0xFFFFFD80] =	vst v1  }
0x235: {  	[tilespmem:s23+$0xFFFFFE00] =	vst v2  }
0x236: {  	s20 =	sadd.s32 $0x1, s20;
	_ =	swait.ge [sflag:s14], $0xC800  }
0x237: {  	p0 =	sne.s32 s20, s8;
	[sflag:s14] =	ssyncset.done $0x0  }
.Ltmp2:
0x238: {  	[sflag:s14] =	ssyncadd.s32 $0xFFFF3800;
	(pc) =	sbr.rel @p0 .LBB2_1-.Ltmp2, $4  }
0x239: {  	[hbm4b:s7+s16] =	stream.strided.scatter [tilespmem:s19], [sflag:$0x3], $0xC800, s17, s16, $0x38;
	[tilespmem:$0x1F420] =	vst v63  }
0x23a: {  	_ =	swait.ge [sflag:s13], $0xC800  }
0x23b: {  	[sflag:s13] =	ssyncset.done $0x0  }
0x23c: {  	[sflag:s13] =	ssyncadd.s32 $0xFFFF3800  }
0x23d: {  	_ =	sfence.sel $0x180000  }
0x23e: {  	[bflag:$0x0] =	sbarrier.arrive $0xFFFF  }
0x23f: {  	_ =	strace $0x90000047  }
0x240: {  	[bflag:$0x2] =	sbarrier.arrive $0xFFFF  }
0x241: {  	p0 =	sne.s32 s1, $0x0;
	s0 =	rddreg [dreg:$0x3]  }
0x242: {  	s0 =	sadd.s32 @!p0 $0x100000, s0  }
0x243: {  	[sflag:s0] =	ssyncadd.tile.s32 @!p0 $0x1;
	_ =	shalt  }
.Lfunc_end2:
_tile_overlayer_lowered:
.L_overlay_start_2:
0x244: {  	(tag) =	ssettag $0x2  }
0x245: {  	s0 =	rddreg [dreg:$0x0];
	s2 =	stileid.u32  }
0x246: {  	s1 =	rddreg [dreg:$0x1];
	p0 =	sne.s32 s2, $0x0  }
0x247: {  	s3 =	rddreg [dreg:$0x2];
	[bflag:$0x3] =	sbarrier.arrive $0xFFFF;
	s2 =	simm.s32 @!p0 $0x1C03  }
0x248: {  	[timem:s3], [sflag:s2] =	dma.local @!p0 [hbm:s0], s1  }
0x249: {  	s0 =	simm.s32 @!p0 $0x3  }
0x24a: {  	_ =	swait.ge @!p0 [sflag:s0], s1  }
0x24b: {  	s1 =	ssub.s32 @!p0 $0x0, s1;
	[sflag:s0] =	ssyncset.done @!p0 $0x0  }
0x24c: {  	[sflag:s0] =	ssyncadd.s32 @!p0 s1  }
0x24d: {  	[bflag:$0x3] =	sbarrier.arrive $0xFFFF  }
0x24e: {  	_ =	shalt  }

</sc_bundles>
